<compile_context>
chip_gen: v7x
topology: tpu7x:2x2x1
jax: 0.10.2.dev20260603
libtpu: 0.0.44.dev20260713+nightly
codegen_flags: <defaults>
</compile_context>

<pallas_src>
import functools

import jax
import jax.numpy as jnp
from jax import lax
from jax.experimental import pallas as pl
from jax.experimental.pallas import tpu as pltpu
from jax.experimental.pallas import tpu_sc as plsc

N = 10000
E = 320000
F_IN = 128
F_OUT = 16

NC = 2
NS = 16
NW = NC * NS
N_PAD = 10240
RPT = N_PAD // NS
C = 512
NBUF = 4
NCHUNK = 20
EPT = NCHUNK * C
E_PAD = EPT * NW

_MESH = plsc.VectorSubcoreMesh(core_axis_name="c", subcore_axis_name="s",
                               num_cores=NC, num_subcores=NS)
_SC_PARAMS = pltpu.CompilerParams(use_tc_tiling_on_sc=False)


@functools.partial(
    pl.kernel,
    out_type=jax.ShapeDtypeStruct((NC, N_PAD * F_OUT), jnp.float32),
    mesh=_MESH,
    scratch_types=[
        pltpu.VMEM((NCHUNK, C), jnp.int32),
        pltpu.VMEM((C,), jnp.float32),
        pltpu.VMEM_SHARED((N_PAD * F_OUT,), jnp.float32),
        pltpu.SemaphoreType.DMA,
    ],
    compiler_params=_SC_PARAMS,
)
def _deg_kernel(wcol_hbm, ones_hbm, zeros_hbm, out_hbm,
                cidx, ones, acc_sp, sem):
    cid = lax.axis_index("c")
    sid = lax.axis_index("s")
    wid = cid * NS + sid
    tbase = sid * (N_PAD * F_OUT // NS)
    pltpu.sync_copy(zeros_hbm, acc_sp.at[pl.ds(tbase, N_PAD * F_OUT // NS)])
    pltpu.sync_copy(ones_hbm, ones)
    pltpu.sync_copy(wcol_hbm.at[wid], cidx)
    plsc.subcore_barrier()

    def body(i, carry):
        pltpu.sync_copy(ones, acc_sp.at[cidx.at[i]], add=True)
        return carry

    lax.fori_loop(0, NCHUNK, body, 0)
    plsc.subcore_barrier()
    pltpu.sync_copy(acc_sp.at[pl.ds(tbase, N_PAD * F_OUT // NS)],
                    out_hbm.at[cid, pl.ds(tbase, N_PAD * F_OUT // NS)])


@functools.partial(
    pl.kernel,
    out_type=jax.ShapeDtypeStruct((NC, N_PAD, F_OUT), jnp.float32),
    mesh=_MESH,
    scratch_types=[
        pltpu.VMEM((NCHUNK, C), jnp.int32),
        pltpu.VMEM((NCHUNK, C), jnp.int32),
        pltpu.VMEM((NBUF, C, F_OUT), jnp.float32),
        pltpu.VMEM_SHARED((N_PAD, F_OUT), jnp.float32),
        pltpu.SemaphoreType.DMA((NBUF,)),
        pltpu.SemaphoreType.DMA,
    ],
    compiler_params=_SC_PARAMS,
)
def _prop_kernel(u_hbm, row_hbm, col_hbm, zeros_hbm, out_hbm,
                 ridx, cidx, rows, acc_sp, gsem, sem):
    cid = lax.axis_index("c")
    sid = lax.axis_index("s")
    wid = cid * NS + sid
    tbase = sid * RPT
    pltpu.sync_copy(zeros_hbm, acc_sp.at[pl.ds(tbase, RPT)])
    pltpu.sync_copy(row_hbm.at[wid], ridx)
    pltpu.sync_copy(col_hbm.at[wid], cidx)
    plsc.subcore_barrier()

    for b in range(NBUF):
        pltpu.async_copy(u_hbm.at[ridx.at[b]], rows.at[b], gsem.at[b])

    def body(i0, carry):
        for b in range(NBUF):
            i = i0 * NBUF + b
            pltpu.make_async_copy(u_hbm.at[ridx.at[i]], rows.at[b],
                                  gsem.at[b]).wait()
            pltpu.sync_copy(rows.at[b], acc_sp.at[cidx.at[i]], add=True)

            @pl.when(i + NBUF < NCHUNK)
            def _():
                pltpu.async_copy(u_hbm.at[ridx.at[i + NBUF]], rows.at[b],
                                 gsem.at[b])
        return carry

    lax.fori_loop(0, NCHUNK // NBUF, body, 0)
    plsc.subcore_barrier()
    pltpu.sync_copy(acc_sp.at[pl.ds(tbase, RPT)],
                    out_hbm.at[cid, pl.ds(tbase, RPT)])


NWR = N_PAD // 8
W_IN = 8 * F_IN


def _matmul_body(x3_ref, w_ref, y_ref):
    parts = [
        lax.dot_general(x3_ref[:, c, :], w_ref[...], (((1,), (1,)), ((), ())),
                        preferred_element_type=jnp.float32)
        for c in range(8)
    ]
    y_ref[...] = jnp.concatenate(parts, axis=1)


_matmul_call = pl.pallas_call(
    _matmul_body,
    out_shape=jax.ShapeDtypeStruct((N // 8, 128), jnp.float32),
)


def _scale_body(y_ref, degp_ref, g_ref, u_ref, dis_ref):
    cnt = degp_ref[0] + degp_ref[1]
    cntb = jnp.dot(cnt, g_ref[...], preferred_element_type=jnp.float32)
    dis = lax.rsqrt(cntb + 1.0)
    dis_ref[...] = dis
    u_ref[...] = jnp.concatenate(
        [dis[:N // 8] * y_ref[...],
         jnp.zeros((NWR - N // 8, 128), jnp.float32)], axis=0)


_scale_call = pl.pallas_call(
    _scale_body,
    out_shape=(
        jax.ShapeDtypeStruct((NWR, 128), jnp.float32),
        jax.ShapeDtypeStruct((NWR, 128), jnp.float32),
    ),
)


def _finish_body(accp_ref, u_ref, dis_ref, g_ref, b_ref, o_ref):
    acc = accp_ref[0] + accp_ref[1] + u_ref[...]
    h = dis_ref[...] * acc + b_ref[...]
    m = jnp.max(h)
    e = jnp.exp(h - m)
    s = jnp.dot(e, g_ref[...], preferred_element_type=jnp.float32)
    o_ref[...] = (h - m - jnp.log(s))[:N // 8]


_finish_call = pl.pallas_call(
    _finish_body,
    out_shape=jax.ShapeDtypeStruct((N // 8, 128), jnp.float32),
)


def kernel(x, edge_index, W, b):
    x3 = jnp.reshape(x, (N // 8, 8, F_IN))
    y_w = _matmul_call(x3, W)

    npad_edges = E_PAD - E
    pad_ids = (N + jnp.arange(npad_edges, dtype=jnp.int32) % (N_PAD - N))
    rc = jnp.concatenate(
        [edge_index, jnp.broadcast_to(pad_ids, (2, npad_edges))], axis=1
    ).reshape(2, NW, NCHUNK, C)
    row_r = rc[0]
    col_r = rc[1]
    wcol_r = col_r * F_OUT

    ones = jnp.ones((C,), jnp.float32)
    zeros = jnp.zeros((RPT, F_OUT), jnp.float32)
    zeros1d = jnp.reshape(zeros, (RPT * F_OUT,))
    lane = jnp.arange(128)
    g = (lane[:, None] // F_OUT == lane[None, :] // F_OUT).astype(jnp.float32)
    b_w = jnp.tile(b, 8).reshape(1, 128)

    deg_parts = _deg_kernel(wcol_r, ones, zeros1d)
    deg_w = jnp.reshape(deg_parts, (NC, NWR, 128))
    u_w, dis_w = _scale_call(y_w, deg_w, g)
    u_sc = jnp.reshape(u_w, (N_PAD, F_OUT))
    acc_parts = _prop_kernel(u_sc, row_r, col_r, zeros)
    acc_w = jnp.reshape(acc_parts, (NC, NWR, 128))
    out = _finish_call(acc_w, u_w, dis_w, g, b_w)
    return jnp.reshape(out, (N, F_OUT))

# --- scband reference (transcript-rebuilt; emitter-appended) ---
"""Pipeline reference for scband-sgc-18433999635061 (READ-ONLY COPY).

The authoritative reference and input builder live on the scoring server;
editing this copy changes nothing except your own understanding.
"""

import jax, jax.numpy as jnp
import numpy as np

N = 10000
E = 320000
F_IN = 128
F_OUT = 16


def setup_inputs(seed: int = 0) -> dict:
    key = jax.random.key(seed)
    k1, k2, k3 = jax.random.split(key, 3)
    x = jax.random.normal(k1, (N, F_IN), dtype=jnp.float32)
    edge_index = jax.random.randint(k2, (2, E), 0, N, dtype=jnp.int32)
    # SGConv linear layer parameters (lin: in_channels=128 -> out_channels=16, bias=True)
    W = jax.random.normal(k3, (F_OUT, F_IN), dtype=jnp.float32) * (1.0 / np.sqrt(F_IN))
    b = jnp.zeros((F_OUT,), dtype=jnp.float32)
    return {"x": x, "edge_index": edge_index, "W": W, "b": b}


def reference(x, edge_index, W, b):
    # SGConv with K=1: gcn_norm (add self loops, symmetric D^-1/2 A D^-1/2),
    # one propagation step, then linear, then log_softmax.
    row = edge_index[0]
    col = edge_index[1]
    loop = jnp.arange(N, dtype=row.dtype)
    row = jnp.concatenate([row, loop])
    col = jnp.concatenate([col, loop])
    edge_weight = jnp.ones(row.shape[0], dtype=x.dtype)
    deg = jax.ops.segment_sum(edge_weight, col, num_segments=N)
    deg_inv_sqrt = jnp.where(deg > 0, deg ** -0.5, 0.0)
    norm = deg_inv_sqrt[row] * edge_weight * deg_inv_sqrt[col]
    # message: x_j = x[row] scaled by norm; aggregate (sum) at col
    msgs = norm[:, None] * jnp.take(x, row, axis=0)
    out = jax.ops.segment_sum(msgs, col, num_segments=N)
    h = out @ W.T + b
    return jax.nn.log_softmax(h, axis=1)

if __name__ == "__main__":
    import jax
    _d = setup_inputs()
    print(jax.jit(kernel)(*tuple(_d.values())))

</pallas_src>

<mosaic_0001>
#map = affine_map<(d0, d1) -> (0, 0)>
#map1 = affine_map<(d0, d1) -> (0, 0, 0)>
module attributes {stable_mosaic.version = 14 : i64} {
  func.func @_prop_kernel(%arg0: i32, %arg1: i32, %arg2: memref<10240x16xf32, #tpu.memory_space<hbm>>, %arg3: memref<32x20x512xi32, #tpu.memory_space<hbm>>, %arg4: memref<32x20x512xi32, #tpu.memory_space<hbm>>, %arg5: memref<640x16xf32, #tpu.memory_space<hbm>>, %arg6: memref<2x10240x16xf32, #tpu.memory_space<hbm>>, %arg7: memref<20x512xi32, #tpu.memory_space<vmem>>, %arg8: memref<20x512xi32, #tpu.memory_space<vmem>>, %arg9: memref<4x512x16xf32, #tpu.memory_space<vmem>>, %arg10: memref<10240x16xf32, #tpu.memory_space<vmem_shared>>, %arg11: memref<4x!tpu.dma_semaphore, #tpu.memory_space<semaphore_mem>>, %arg12: memref<!tpu.dma_semaphore, #tpu.memory_space<semaphore_mem>>) attributes {dimension_semantics = [#tpu.dimension_semantics<core_parallel>, #tpu.dimension_semantics<subcore_parallel>], iteration_bounds = array<i64: 2, 16>, scalar_prefetch = 0 : i64, scratch_operands = 6 : i64, tpu.core_type = #tpu.core_type<sc_vector_subcore>, window_params = [{transform_indices = #map}, {transform_indices = #map1}, {transform_indices = #map1}, {transform_indices = #map}, {transform_indices = #map1}]} {
    %mul3A = arith.constant 16 : i32
    %mul3A_0 = arith.muli %arg0, %mul3A : i32
    %add3A = arith.addi %mul3A_0, %arg1 : i32
    %mul3A_1 = arith.constant 640 : i32
    %mul3A_2 = arith.muli %arg1, %mul3A_1 : i32
    "tpu.region"() ({
      %run_scoped3A = tpu.sem_alloc : memref<!tpu.dma_semaphore, #tpu.memory_space<semaphore_mem>>
      %dma_start3A_68 = arith.constant 0 : i32
      %dma_start3A_69 = tpu.memref_slice %arg10[%mul3A_2, %dma_start3A_68] : memref<10240x16xf32, #tpu.memory_space<vmem_shared>> -> memref<640x16xf32, #tpu.memory_space<vmem_shared>>
      tpu.enqueue_dma source(%arg5 : memref<640x16xf32, #tpu.memory_space<hbm>>) target(%dma_start3A_69 : memref<640x16xf32, #tpu.memory_space<vmem_shared>>) target_semaphore(%run_scoped3A : memref<!tpu.dma_semaphore, #tpu.memory_space<semaphore_mem>>)
      %dma_wait3A = arith.constant 0 : i32
      %dma_wait3A_70 = tpu.memref_slice %arg10[%mul3A_2, %dma_wait3A] : memref<10240x16xf32, #tpu.memory_space<vmem_shared>> -> memref<640x16xf32, #tpu.memory_space<vmem_shared>>
      tpu.wait_dma2 semaphore(%run_scoped3A : memref<!tpu.dma_semaphore, #tpu.memory_space<semaphore_mem>>) src(%arg5 : memref<640x16xf32, #tpu.memory_space<hbm>>) dst(%dma_wait3A_70 : memref<640x16xf32, #tpu.memory_space<vmem_shared>>)
      tpu.yield
    }) : () -> ()
    "tpu.region"() ({
      %run_scoped3A = tpu.sem_alloc : memref<!tpu.dma_semaphore, #tpu.memory_space<semaphore_mem>>
      %dma_start3A_68 = arith.constant 0 : i32
      %dma_start3A_69 = arith.constant 0 : i32
      %dma_start3A_70 = tpu.memref_slice %arg3[%add3A, %dma_start3A_68, %dma_start3A_69] : memref<32x20x512xi32, #tpu.memory_space<hbm>> -> memref<1x20x512xi32, #tpu.memory_space<hbm>>
      %dma_start3A_71 = tpu.memref_squeeze %dma_start3A_70 : memref<1x20x512xi32, #tpu.memory_space<hbm>> -> memref<20x512xi32, #tpu.memory_space<hbm>>
      %dma_start3A_72 = arith.constant 0 : i32
      %dma_start3A_73 = arith.constant 0 : i32
      %dma_start3A_74 = tpu.memref_slice %arg3[%add3A, %dma_start3A_72, %dma_start3A_73] : memref<32x20x512xi32, #tpu.memory_space<hbm>> -> memref<1x20x512xi32, #tpu.memory_space<hbm>>
      %dma_start3A_75 = tpu.memref_squeeze %dma_start3A_74 : memref<1x20x512xi32, #tpu.memory_space<hbm>> -> memref<20x512xi32, #tpu.memory_space<hbm>>
      tpu.enqueue_dma source(%dma_start3A_75 : memref<20x512xi32, #tpu.memory_space<hbm>>) target(%arg7 : memref<20x512xi32, #tpu.memory_space<vmem>>) target_semaphore(%run_scoped3A : memref<!tpu.dma_semaphore, #tpu.memory_space<semaphore_mem>>)
      %dma_wait3A = arith.constant 0 : i32
      %dma_wait3A_76 = arith.constant 0 : i32
      %dma_wait3A_77 = tpu.memref_slice %arg3[%add3A, %dma_wait3A, %dma_wait3A_76] : memref<32x20x512xi32, #tpu.memory_space<hbm>> -> memref<1x20x512xi32, #tpu.memory_space<hbm>>
      %dma_wait3A_78 = tpu.memref_squeeze %dma_wait3A_77 : memref<1x20x512xi32, #tpu.memory_space<hbm>> -> memref<20x512xi32, #tpu.memory_space<hbm>>
      %dma_wait3A_79 = arith.constant 0 : i32
      %dma_wait3A_80 = arith.constant 0 : i32
      %dma_wait3A_81 = tpu.memref_slice %arg3[%add3A, %dma_wait3A_79, %dma_wait3A_80] : memref<32x20x512xi32, #tpu.memory_space<hbm>> -> memref<1x20x512xi32, #tpu.memory_space<hbm>>
      %dma_wait3A_82 = tpu.memref_squeeze %dma_wait3A_81 : memref<1x20x512xi32, #tpu.memory_space<hbm>> -> memref<20x512xi32, #tpu.memory_space<hbm>>
      tpu.wait_dma2 semaphore(%run_scoped3A : memref<!tpu.dma_semaphore, #tpu.memory_space<semaphore_mem>>) src(%dma_wait3A_82 : memref<20x512xi32, #tpu.memory_space<hbm>>) dst(%arg7 : memref<20x512xi32, #tpu.memory_space<vmem>>)
      tpu.yield
    }) : () -> ()
    "tpu.region"() ({
      %run_scoped3A = tpu.sem_alloc : memref<!tpu.dma_semaphore, #tpu.memory_space<semaphore_mem>>
      %dma_start3A_68 = arith.constant 0 : i32
      %dma_start3A_69 = arith.constant 0 : i32
      %dma_start3A_70 = tpu.memref_slice %arg4[%add3A, %dma_start3A_68, %dma_start3A_69] : memref<32x20x512xi32, #tpu.memory_space<hbm>> -> memref<1x20x512xi32, #tpu.memory_space<hbm>>
      %dma_start3A_71 = tpu.memref_squeeze %dma_start3A_70 : memref<1x20x512xi32, #tpu.memory_space<hbm>> -> memref<20x512xi32, #tpu.memory_space<hbm>>
      %dma_start3A_72 = arith.constant 0 : i32
      %dma_start3A_73 = arith.constant 0 : i32
      %dma_start3A_74 = tpu.memref_slice %arg4[%add3A, %dma_start3A_72, %dma_start3A_73] : memref<32x20x512xi32, #tpu.memory_space<hbm>> -> memref<1x20x512xi32, #tpu.memory_space<hbm>>
      %dma_start3A_75 = tpu.memref_squeeze %dma_start3A_74 : memref<1x20x512xi32, #tpu.memory_space<hbm>> -> memref<20x512xi32, #tpu.memory_space<hbm>>
      tpu.enqueue_dma source(%dma_start3A_75 : memref<20x512xi32, #tpu.memory_space<hbm>>) target(%arg8 : memref<20x512xi32, #tpu.memory_space<vmem>>) target_semaphore(%run_scoped3A : memref<!tpu.dma_semaphore, #tpu.memory_space<semaphore_mem>>)
      %dma_wait3A = arith.constant 0 : i32
      %dma_wait3A_76 = arith.constant 0 : i32
      %dma_wait3A_77 = tpu.memref_slice %arg4[%add3A, %dma_wait3A, %dma_wait3A_76] : memref<32x20x512xi32, #tpu.memory_space<hbm>> -> memref<1x20x512xi32, #tpu.memory_space<hbm>>
      %dma_wait3A_78 = tpu.memref_squeeze %dma_wait3A_77 : memref<1x20x512xi32, #tpu.memory_space<hbm>> -> memref<20x512xi32, #tpu.memory_space<hbm>>
      %dma_wait3A_79 = arith.constant 0 : i32
      %dma_wait3A_80 = arith.constant 0 : i32
      %dma_wait3A_81 = tpu.memref_slice %arg4[%add3A, %dma_wait3A_79, %dma_wait3A_80] : memref<32x20x512xi32, #tpu.memory_space<hbm>> -> memref<1x20x512xi32, #tpu.memory_space<hbm>>
      %dma_wait3A_82 = tpu.memref_squeeze %dma_wait3A_81 : memref<1x20x512xi32, #tpu.memory_space<hbm>> -> memref<20x512xi32, #tpu.memory_space<hbm>>
      tpu.wait_dma2 semaphore(%run_scoped3A : memref<!tpu.dma_semaphore, #tpu.memory_space<semaphore_mem>>) src(%dma_wait3A_82 : memref<20x512xi32, #tpu.memory_space<hbm>>) dst(%arg8 : memref<20x512xi32, #tpu.memory_space<vmem>>)
      tpu.yield
    }) : () -> ()
    %barrier3A = arith.constant 0 : index
    tpu.barrier barrier_id(%barrier3A)
    %dma_start3A = arith.constant 0 : i32
    %dma_start3A_3 = arith.constant 0 : i32
    %dma_start3A_4 = arith.constant 0 : i32
    %dma_start3A_5 = arith.constant 0 : i32
    %dma_start3A_6 = arith.constant 0 : i32
    %dma_start3A_7 = tpu.memref_slice %arg9[%dma_start3A_3, %dma_start3A_5, %dma_start3A_6] : memref<4x512x16xf32, #tpu.memory_space<vmem>> -> memref<1x512x16xf32, #tpu.memory_space<vmem>>
    %dma_start3A_8 = tpu.memref_squeeze %dma_start3A_7 : memref<1x512x16xf32, #tpu.memory_space<vmem>> -> memref<512x16xf32, #tpu.memory_space<vmem>>
    %dma_start3A_9 = arith.constant 0 : i32
    %dma_start3A_10 = tpu.memref_slice %arg7[%dma_start3A, %dma_start3A_9] : memref<20x512xi32, #tpu.memory_space<vmem>> -> memref<1x512xi32, #tpu.memory_space<vmem>>
    %dma_start3A_11 = tpu.memref_squeeze %dma_start3A_10 : memref<1x512xi32, #tpu.memory_space<vmem>> -> memref<512xi32, #tpu.memory_space<vmem>>
    %dma_start3A_12 = arith.constant 0 : i32
    %dma_start3A_13 = arith.constant 0 : i32
    %dma_start3A_14 = tpu.memref_slice %arg2[%dma_start3A_12, %dma_start3A_13] : memref<10240x16xf32, #tpu.memory_space<hbm>> -> memref<10240x16xf32, #tpu.memory_space<hbm>>
    %dma_start3A_15 = tpu.memref_slice %arg11[%dma_start3A_4] : memref<4x!tpu.dma_semaphore, #tpu.memory_space<semaphore_mem>> -> memref<1x!tpu.dma_semaphore, #tpu.memory_space<semaphore_mem>>
    %dma_start3A_16 = tpu.memref_squeeze %dma_start3A_15 : memref<1x!tpu.dma_semaphore, #tpu.memory_space<semaphore_mem>> -> memref<!tpu.dma_semaphore, #tpu.memory_space<semaphore_mem>>
    tpu.enqueue_indirect_dma source(%dma_start3A_14 : memref<10240x16xf32, #tpu.memory_space<hbm>>) target(%dma_start3A_8 : memref<512x16xf32, #tpu.memory_space<vmem>>) offsets(%dma_start3A_11 : memref<512xi32, #tpu.memory_space<vmem>>) semaphore(%dma_start3A_16 : memref<!tpu.dma_semaphore, #tpu.memory_space<semaphore_mem>>)
    %dma_start3A_17 = arith.constant 1 : i32
    %dma_start3A_18 = arith.constant 1 : i32
    %dma_start3A_19 = arith.constant 1 : i32
    %dma_start3A_20 = arith.constant 0 : i32
    %dma_start3A_21 = arith.constant 0 : i32
    %dma_start3A_22 = tpu.memref_slice %arg9[%dma_start3A_18, %dma_start3A_20, %dma_start3A_21] : memref<4x512x16xf32, #tpu.memory_space<vmem>> -> memref<1x512x16xf32, #tpu.memory_space<vmem>>
    %dma_start3A_23 = tpu.memref_squeeze %dma_start3A_22 : memref<1x512x16xf32, #tpu.memory_space<vmem>> -> memref<512x16xf32, #tpu.memory_space<vmem>>
    %dma_start3A_24 = arith.constant 0 : i32
    %dma_start3A_25 = tpu.memref_slice %arg7[%dma_start3A_17, %dma_start3A_24] : memref<20x512xi32, #tpu.memory_space<vmem>> -> memref<1x512xi32, #tpu.memory_space<vmem>>
    %dma_start3A_26 = tpu.memref_squeeze %dma_start3A_25 : memref<1x512xi32, #tpu.memory_space<vmem>> -> memref<512xi32, #tpu.memory_space<vmem>>
    %dma_start3A_27 = arith.constant 0 : i32
    %dma_start3A_28 = arith.constant 0 : i32
    %dma_start3A_29 = tpu.memref_slice %arg2[%dma_start3A_27, %dma_start3A_28] : memref<10240x16xf32, #tpu.memory_space<hbm>> -> memref<10240x16xf32, #tpu.memory_space<hbm>>
    %dma_start3A_30 = tpu.memref_slice %arg11[%dma_start3A_19] : memref<4x!tpu.dma_semaphore, #tpu.memory_space<semaphore_mem>> -> memref<1x!tpu.dma_semaphore, #tpu.memory_space<semaphore_mem>>
    %dma_start3A_31 = tpu.memref_squeeze %dma_start3A_30 : memref<1x!tpu.dma_semaphore, #tpu.memory_space<semaphore_mem>> -> memref<!tpu.dma_semaphore, #tpu.memory_space<semaphore_mem>>
    tpu.enqueue_indirect_dma source(%dma_start3A_29 : memref<10240x16xf32, #tpu.memory_space<hbm>>) target(%dma_start3A_23 : memref<512x16xf32, #tpu.memory_space<vmem>>) offsets(%dma_start3A_26 : memref<512xi32, #tpu.memory_space<vmem>>) semaphore(%dma_start3A_31 : memref<!tpu.dma_semaphore, #tpu.memory_space<semaphore_mem>>)
    %dma_start3A_32 = arith.constant 2 : i32
    %dma_start3A_33 = arith.constant 2 : i32
    %dma_start3A_34 = arith.constant 2 : i32
    %dma_start3A_35 = arith.constant 0 : i32
    %dma_start3A_36 = arith.constant 0 : i32
    %dma_start3A_37 = tpu.memref_slice %arg9[%dma_start3A_33, %dma_start3A_35, %dma_start3A_36] : memref<4x512x16xf32, #tpu.memory_space<vmem>> -> memref<1x512x16xf32, #tpu.memory_space<vmem>>
    %dma_start3A_38 = tpu.memref_squeeze %dma_start3A_37 : memref<1x512x16xf32, #tpu.memory_space<vmem>> -> memref<512x16xf32, #tpu.memory_space<vmem>>
    %dma_start3A_39 = arith.constant 0 : i32
    %dma_start3A_40 = tpu.memref_slice %arg7[%dma_start3A_32, %dma_start3A_39] : memref<20x512xi32, #tpu.memory_space<vmem>> -> memref<1x512xi32, #tpu.memory_space<vmem>>
    %dma_start3A_41 = tpu.memref_squeeze %dma_start3A_40 : memref<1x512xi32, #tpu.memory_space<vmem>> -> memref<512xi32, #tpu.memory_space<vmem>>
    %dma_start3A_42 = arith.constant 0 : i32
    %dma_start3A_43 = arith.constant 0 : i32
    %dma_start3A_44 = tpu.memref_slice %arg2[%dma_start3A_42, %dma_start3A_43] : memref<10240x16xf32, #tpu.memory_space<hbm>> -> memref<10240x16xf32, #tpu.memory_space<hbm>>
    %dma_start3A_45 = tpu.memref_slice %arg11[%dma_start3A_34] : memref<4x!tpu.dma_semaphore, #tpu.memory_space<semaphore_mem>> -> memref<1x!tpu.dma_semaphore, #tpu.memory_space<semaphore_mem>>
    %dma_start3A_46 = tpu.memref_squeeze %dma_start3A_45 : memref<1x!tpu.dma_semaphore, #tpu.memory_space<semaphore_mem>> -> memref<!tpu.dma_semaphore, #tpu.memory_space<semaphore_mem>>
    tpu.enqueue_indirect_dma source(%dma_start3A_44 : memref<10240x16xf32, #tpu.memory_space<hbm>>) target(%dma_start3A_38 : memref<512x16xf32, #tpu.memory_space<vmem>>) offsets(%dma_start3A_41 : memref<512xi32, #tpu.memory_space<vmem>>) semaphore(%dma_start3A_46 : memref<!tpu.dma_semaphore, #tpu.memory_space<semaphore_mem>>)
    %dma_start3A_47 = arith.constant 3 : i32
    %dma_start3A_48 = arith.constant 3 : i32
    %dma_start3A_49 = arith.constant 3 : i32
    %dma_start3A_50 = arith.constant 0 : i32
    %dma_start3A_51 = arith.constant 0 : i32
    %dma_start3A_52 = tpu.memref_slice %arg9[%dma_start3A_48, %dma_start3A_50, %dma_start3A_51] : memref<4x512x16xf32, #tpu.memory_space<vmem>> -> memref<1x512x16xf32, #tpu.memory_space<vmem>>
    %dma_start3A_53 = tpu.memref_squeeze %dma_start3A_52 : memref<1x512x16xf32, #tpu.memory_space<vmem>> -> memref<512x16xf32, #tpu.memory_space<vmem>>
    %dma_start3A_54 = arith.constant 0 : i32
    %dma_start3A_55 = tpu.memref_slice %arg7[%dma_start3A_47, %dma_start3A_54] : memref<20x512xi32, #tpu.memory_space<vmem>> -> memref<1x512xi32, #tpu.memory_space<vmem>>
    %dma_start3A_56 = tpu.memref_squeeze %dma_start3A_55 : memref<1x512xi32, #tpu.memory_space<vmem>> -> memref<512xi32, #tpu.memory_space<vmem>>
    %dma_start3A_57 = arith.constant 0 : i32
    %dma_start3A_58 = arith.constant 0 : i32
    %dma_start3A_59 = tpu.memref_slice %arg2[%dma_start3A_57, %dma_start3A_58] : memref<10240x16xf32, #tpu.memory_space<hbm>> -> memref<10240x16xf32, #tpu.memory_space<hbm>>
    %dma_start3A_60 = tpu.memref_slice %arg11[%dma_start3A_49] : memref<4x!tpu.dma_semaphore, #tpu.memory_space<semaphore_mem>> -> memref<1x!tpu.dma_semaphore, #tpu.memory_space<semaphore_mem>>
    %dma_start3A_61 = tpu.memref_squeeze %dma_start3A_60 : memref<1x!tpu.dma_semaphore, #tpu.memory_space<semaphore_mem>> -> memref<!tpu.dma_semaphore, #tpu.memory_space<semaphore_mem>>
    tpu.enqueue_indirect_dma source(%dma_start3A_59 : memref<10240x16xf32, #tpu.memory_space<hbm>>) target(%dma_start3A_53 : memref<512x16xf32, #tpu.memory_space<vmem>>) offsets(%dma_start3A_56 : memref<512xi32, #tpu.memory_space<vmem>>) semaphore(%dma_start3A_61 : memref<!tpu.dma_semaphore, #tpu.memory_space<semaphore_mem>>)
    %scan3A = arith.constant 0 : i32
    %scan3A_62 = arith.constant 0 : i32
    %scan3A_63 = arith.constant 5 : i32
    %scan3A_64 = arith.addi %scan3A_62, %scan3A_63 : i32
    %scan3A_65 = arith.constant 1 : i32
    scf.for %scan3A_68 = %scan3A_62 to %scan3A_64 step %scan3A_65  : i32 {
      %mul3A_69 = arith.constant 4 : i32
      %mul3A_70 = arith.muli %scan3A_68, %mul3A_69 : i32
      %add3A_71 = arith.constant 0 : i32
      %add3A_72 = arith.addi %mul3A_70, %add3A_71 : i32
      %dma_wait3A = arith.constant 0 : i32
      %dma_wait3A_73 = arith.constant 0 : i32
      %dma_wait3A_74 = arith.constant 0 : i32
      %dma_wait3A_75 = arith.constant 0 : i32
      %dma_wait3A_76 = tpu.memref_slice %arg9[%dma_wait3A, %dma_wait3A_74, %dma_wait3A_75] : memref<4x512x16xf32, #tpu.memory_space<vmem>> -> memref<1x512x16xf32, #tpu.memory_space<vmem>>
      %dma_wait3A_77 = tpu.memref_squeeze %dma_wait3A_76 : memref<1x512x16xf32, #tpu.memory_space<vmem>> -> memref<512x16xf32, #tpu.memory_space<vmem>>
      %dma_wait3A_78 = arith.constant 0 : i32
      %dma_wait3A_79 = tpu.memref_slice %arg7[%add3A_72, %dma_wait3A_78] : memref<20x512xi32, #tpu.memory_space<vmem>> -> memref<1x512xi32, #tpu.memory_space<vmem>>
      %dma_wait3A_80 = tpu.memref_squeeze %dma_wait3A_79 : memref<1x512xi32, #tpu.memory_space<vmem>> -> memref<512xi32, #tpu.memory_space<vmem>>
      %dma_wait3A_81 = arith.constant 0 : i32
      %dma_wait3A_82 = arith.constant 0 : i32
      %dma_wait3A_83 = tpu.memref_slice %arg2[%dma_wait3A_81, %dma_wait3A_82] : memref<10240x16xf32, #tpu.memory_space<hbm>> -> memref<10240x16xf32, #tpu.memory_space<hbm>>
      %dma_wait3A_84 = tpu.memref_slice %arg11[%dma_wait3A_73] : memref<4x!tpu.dma_semaphore, #tpu.memory_space<semaphore_mem>> -> memref<1x!tpu.dma_semaphore, #tpu.memory_space<semaphore_mem>>
      %dma_wait3A_85 = tpu.memref_squeeze %dma_wait3A_84 : memref<1x!tpu.dma_semaphore, #tpu.memory_space<semaphore_mem>> -> memref<!tpu.dma_semaphore, #tpu.memory_space<semaphore_mem>>
      tpu.wait_indirect_dma semaphore(%dma_wait3A_85 : memref<!tpu.dma_semaphore, #tpu.memory_space<semaphore_mem>>) src(%dma_wait3A_83 : memref<10240x16xf32, #tpu.memory_space<hbm>>) dst(%dma_wait3A_77 : memref<512x16xf32, #tpu.memory_space<vmem>>)
      %run_scoped3A = arith.constant 0 : i32
      "tpu.region"() ({
        %run_scoped3A_168 = tpu.sem_alloc : memref<!tpu.dma_semaphore, #tpu.memory_space<semaphore_mem>>
        %dma_start3A_169 = arith.constant 0 : i32
        %dma_start3A_170 = arith.constant 0 : i32
        %dma_start3A_171 = tpu.memref_slice %arg9[%run_scoped3A, %dma_start3A_169, %dma_start3A_170] : memref<4x512x16xf32, #tpu.memory_space<vmem>> -> memref<1x512x16xf32, #tpu.memory_space<vmem>>
        %dma_start3A_172 = tpu.memref_squeeze %dma_start3A_171 : memref<1x512x16xf32, #tpu.memory_space<vmem>> -> memref<512x16xf32, #tpu.memory_space<vmem>>
        %dma_start3A_173 = arith.constant 0 : i32
        %dma_start3A_174 = tpu.memref_slice %arg8[%add3A_72, %dma_start3A_173] : memref<20x512xi32, #tpu.memory_space<vmem>> -> memref<1x512xi32, #tpu.memory_space<vmem>>
        %dma_start3A_175 = tpu.memref_squeeze %dma_start3A_174 : memref<1x512xi32, #tpu.memory_space<vmem>> -> memref<512xi32, #tpu.memory_space<vmem>>
        %dma_start3A_176 = arith.constant 0 : i32
        %dma_start3A_177 = arith.constant 0 : i32
        %dma_start3A_178 = tpu.memref_slice %arg10[%dma_start3A_176, %dma_start3A_177] : memref<10240x16xf32, #tpu.memory_space<vmem_shared>> -> memref<10240x16xf32, #tpu.memory_space<vmem_shared>>
        tpu.enqueue_indirect_dma source(%dma_start3A_172 : memref<512x16xf32, #tpu.memory_space<vmem>>) target(%dma_start3A_178 : memref<10240x16xf32, #tpu.memory_space<vmem_shared>>) offsets(%dma_start3A_175 : memref<512xi32, #tpu.memory_space<vmem>>) semaphore(%run_scoped3A_168 : memref<!tpu.dma_semaphore, #tpu.memory_space<semaphore_mem>>) {add = true}
        %dma_wait3A_179 = arith.constant 0 : i32
        %dma_wait3A_180 = arith.constant 0 : i32
        %dma_wait3A_181 = tpu.memref_slice %arg9[%run_scoped3A, %dma_wait3A_179, %dma_wait3A_180] : memref<4x512x16xf32, #tpu.memory_space<vmem>> -> memref<1x512x16xf32, #tpu.memory_space<vmem>>
        %dma_wait3A_182 = tpu.memref_squeeze %dma_wait3A_181 : memref<1x512x16xf32, #tpu.memory_space<vmem>> -> memref<512x16xf32, #tpu.memory_space<vmem>>
        %dma_wait3A_183 = arith.constant 0 : i32
        %dma_wait3A_184 = tpu.memref_slice %arg8[%add3A_72, %dma_wait3A_183] : memref<20x512xi32, #tpu.memory_space<vmem>> -> memref<1x512xi32, #tpu.memory_space<vmem>>
        %dma_wait3A_185 = tpu.memref_squeeze %dma_wait3A_184 : memref<1x512xi32, #tpu.memory_space<vmem>> -> memref<512xi32, #tpu.memory_space<vmem>>
        %dma_wait3A_186 = arith.constant 0 : i32
        %dma_wait3A_187 = arith.constant 0 : i32
        %dma_wait3A_188 = tpu.memref_slice %arg10[%dma_wait3A_186, %dma_wait3A_187] : memref<10240x16xf32, #tpu.memory_space<vmem_shared>> -> memref<10240x16xf32, #tpu.memory_space<vmem_shared>>
        tpu.wait_indirect_dma semaphore(%run_scoped3A_168 : memref<!tpu.dma_semaphore, #tpu.memory_space<semaphore_mem>>) src(%dma_wait3A_182 : memref<512x16xf32, #tpu.memory_space<vmem>>) dst(%dma_wait3A_188 : memref<10240x16xf32, #tpu.memory_space<vmem_shared>>)
        tpu.yield
      }) : () -> ()
      %add3A_86 = arith.constant 4 : i32
      %add3A_87 = arith.addi %add3A_72, %add3A_86 : i32
      %lt3A = arith.constant 20 : i32
      %lt3A_88 = arith.cmpi slt, %add3A_87, %lt3A : i32
      %convert_element_type3A = arith.extui %lt3A_88 : i1 to i32
      %cond3A = arith.constant 0 : i32
      %cond3A_89 = arith.cmpi ne, %convert_element_type3A, %cond3A : i32
      scf.if %cond3A_89 {
        %add3A_168 = arith.constant 4 : i32
        %add3A_169 = arith.addi %add3A_72, %add3A_168 : i32
        %dma_start3A_170 = arith.constant 0 : i32
        %dma_start3A_171 = arith.constant 0 : i32
        %dma_start3A_172 = arith.constant 0 : i32
        %dma_start3A_173 = arith.constant 0 : i32
        %dma_start3A_174 = tpu.memref_slice %arg9[%dma_start3A_170, %dma_start3A_172, %dma_start3A_173] : memref<4x512x16xf32, #tpu.memory_space<vmem>> -> memref<1x512x16xf32, #tpu.memory_space<vmem>>
        %dma_start3A_175 = tpu.memref_squeeze %dma_start3A_174 : memref<1x512x16xf32, #tpu.memory_space<vmem>> -> memref<512x16xf32, #tpu.memory_space<vmem>>
        %dma_start3A_176 = arith.constant 0 : i32
        %dma_start3A_177 = tpu.memref_slice %arg7[%add3A_169, %dma_start3A_176] : memref<20x512xi32, #tpu.memory_space<vmem>> -> memref<1x512xi32, #tpu.memory_space<vmem>>
        %dma_start3A_178 = tpu.memref_squeeze %dma_start3A_177 : memref<1x512xi32, #tpu.memory_space<vmem>> -> memref<512xi32, #tpu.memory_space<vmem>>
        %dma_start3A_179 = arith.constant 0 : i32
        %dma_start3A_180 = arith.constant 0 : i32
        %dma_start3A_181 = tpu.memref_slice %arg2[%dma_start3A_179, %dma_start3A_180] : memref<10240x16xf32, #tpu.memory_space<hbm>> -> memref<10240x16xf32, #tpu.memory_space<hbm>>
        %dma_start3A_182 = tpu.memref_slice %arg11[%dma_start3A_171] : memref<4x!tpu.dma_semaphore, #tpu.memory_space<semaphore_mem>> -> memref<1x!tpu.dma_semaphore, #tpu.memory_space<semaphore_mem>>
        %dma_start3A_183 = tpu.memref_squeeze %dma_start3A_182 : memref<1x!tpu.dma_semaphore, #tpu.memory_space<semaphore_mem>> -> memref<!tpu.dma_semaphore, #tpu.memory_space<semaphore_mem>>
        tpu.enqueue_indirect_dma source(%dma_start3A_181 : memref<10240x16xf32, #tpu.memory_space<hbm>>) target(%dma_start3A_175 : memref<512x16xf32, #tpu.memory_space<vmem>>) offsets(%dma_start3A_178 : memref<512xi32, #tpu.memory_space<vmem>>) semaphore(%dma_start3A_183 : memref<!tpu.dma_semaphore, #tpu.memory_space<semaphore_mem>>)
      } else {
      }
      %mul3A_90 = arith.constant 4 : i32
      %mul3A_91 = arith.muli %scan3A_68, %mul3A_90 : i32
      %add3A_92 = arith.constant 1 : i32
      %add3A_93 = arith.addi %mul3A_91, %add3A_92 : i32
      %dma_wait3A_94 = arith.constant 1 : i32
      %dma_wait3A_95 = arith.constant 1 : i32
      %dma_wait3A_96 = arith.constant 0 : i32
      %dma_wait3A_97 = arith.constant 0 : i32
      %dma_wait3A_98 = tpu.memref_slice %arg9[%dma_wait3A_94, %dma_wait3A_96, %dma_wait3A_97] : memref<4x512x16xf32, #tpu.memory_space<vmem>> -> memref<1x512x16xf32, #tpu.memory_space<vmem>>
      %dma_wait3A_99 = tpu.memref_squeeze %dma_wait3A_98 : memref<1x512x16xf32, #tpu.memory_space<vmem>> -> memref<512x16xf32, #tpu.memory_space<vmem>>
      %dma_wait3A_100 = arith.constant 0 : i32
      %dma_wait3A_101 = tpu.memref_slice %arg7[%add3A_93, %dma_wait3A_100] : memref<20x512xi32, #tpu.memory_space<vmem>> -> memref<1x512xi32, #tpu.memory_space<vmem>>
      %dma_wait3A_102 = tpu.memref_squeeze %dma_wait3A_101 : memref<1x512xi32, #tpu.memory_space<vmem>> -> memref<512xi32, #tpu.memory_space<vmem>>
      %dma_wait3A_103 = arith.constant 0 : i32
      %dma_wait3A_104 = arith.constant 0 : i32
      %dma_wait3A_105 = tpu.memref_slice %arg2[%dma_wait3A_103, %dma_wait3A_104] : memref<10240x16xf32, #tpu.memory_space<hbm>> -> memref<10240x16xf32, #tpu.memory_space<hbm>>
      %dma_wait3A_106 = tpu.memref_slice %arg11[%dma_wait3A_95] : memref<4x!tpu.dma_semaphore, #tpu.memory_space<semaphore_mem>> -> memref<1x!tpu.dma_semaphore, #tpu.memory_space<semaphore_mem>>
      %dma_wait3A_107 = tpu.memref_squeeze %dma_wait3A_106 : memref<1x!tpu.dma_semaphore, #tpu.memory_space<semaphore_mem>> -> memref<!tpu.dma_semaphore, #tpu.memory_space<semaphore_mem>>
      tpu.wait_indirect_dma semaphore(%dma_wait3A_107 : memref<!tpu.dma_semaphore, #tpu.memory_space<semaphore_mem>>) src(%dma_wait3A_105 : memref<10240x16xf32, #tpu.memory_space<hbm>>) dst(%dma_wait3A_99 : memref<512x16xf32, #tpu.memory_space<vmem>>)
      %run_scoped3A_108 = arith.constant 1 : i32
      "tpu.region"() ({
        %run_scoped3A_168 = tpu.sem_alloc : memref<!tpu.dma_semaphore, #tpu.memory_space<semaphore_mem>>
        %dma_start3A_169 = arith.constant 0 : i32
        %dma_start3A_170 = arith.constant 0 : i32
        %dma_start3A_171 = tpu.memref_slice %arg9[%run_scoped3A_108, %dma_start3A_169, %dma_start3A_170] : memref<4x512x16xf32, #tpu.memory_space<vmem>> -> memref<1x512x16xf32, #tpu.memory_space<vmem>>
        %dma_start3A_172 = tpu.memref_squeeze %dma_start3A_171 : memref<1x512x16xf32, #tpu.memory_space<vmem>> -> memref<512x16xf32, #tpu.memory_space<vmem>>
        %dma_start3A_173 = arith.constant 0 : i32
        %dma_start3A_174 = tpu.memref_slice %arg8[%add3A_93, %dma_start3A_173] : memref<20x512xi32, #tpu.memory_space<vmem>> -> memref<1x512xi32, #tpu.memory_space<vmem>>
        %dma_start3A_175 = tpu.memref_squeeze %dma_start3A_174 : memref<1x512xi32, #tpu.memory_space<vmem>> -> memref<512xi32, #tpu.memory_space<vmem>>
        %dma_start3A_176 = arith.constant 0 : i32
        %dma_start3A_177 = arith.constant 0 : i32
        %dma_start3A_178 = tpu.memref_slice %arg10[%dma_start3A_176, %dma_start3A_177] : memref<10240x16xf32, #tpu.memory_space<vmem_shared>> -> memref<10240x16xf32, #tpu.memory_space<vmem_shared>>
        tpu.enqueue_indirect_dma source(%dma_start3A_172 : memref<512x16xf32, #tpu.memory_space<vmem>>) target(%dma_start3A_178 : memref<10240x16xf32, #tpu.memory_space<vmem_shared>>) offsets(%dma_start3A_175 : memref<512xi32, #tpu.memory_space<vmem>>) semaphore(%run_scoped3A_168 : memref<!tpu.dma_semaphore, #tpu.memory_space<semaphore_mem>>) {add = true}
        %dma_wait3A_179 = arith.constant 0 : i32
        %dma_wait3A_180 = arith.constant 0 : i32
        %dma_wait3A_181 = tpu.memref_slice %arg9[%run_scoped3A_108, %dma_wait3A_179, %dma_wait3A_180] : memref<4x512x16xf32, #tpu.memory_space<vmem>> -> memref<1x512x16xf32, #tpu.memory_space<vmem>>
        %dma_wait3A_182 = tpu.memref_squeeze %dma_wait3A_181 : memref<1x512x16xf32, #tpu.memory_space<vmem>> -> memref<512x16xf32, #tpu.memory_space<vmem>>
        %dma_wait3A_183 = arith.constant 0 : i32
        %dma_wait3A_184 = tpu.memref_slice %arg8[%add3A_93, %dma_wait3A_183] : memref<20x512xi32, #tpu.memory_space<vmem>> -> memref<1x512xi32, #tpu.memory_space<vmem>>
        %dma_wait3A_185 = tpu.memref_squeeze %dma_wait3A_184 : memref<1x512xi32, #tpu.memory_space<vmem>> -> memref<512xi32, #tpu.memory_space<vmem>>
        %dma_wait3A_186 = arith.constant 0 : i32
        %dma_wait3A_187 = arith.constant 0 : i32
        %dma_wait3A_188 = tpu.memref_slice %arg10[%dma_wait3A_186, %dma_wait3A_187] : memref<10240x16xf32, #tpu.memory_space<vmem_shared>> -> memref<10240x16xf32, #tpu.memory_space<vmem_shared>>
        tpu.wait_indirect_dma semaphore(%run_scoped3A_168 : memref<!tpu.dma_semaphore, #tpu.memory_space<semaphore_mem>>) src(%dma_wait3A_182 : memref<512x16xf32, #tpu.memory_space<vmem>>) dst(%dma_wait3A_188 : memref<10240x16xf32, #tpu.memory_space<vmem_shared>>)
        tpu.yield
      }) : () -> ()
      %add3A_109 = arith.constant 4 : i32
      %add3A_110 = arith.addi %add3A_93, %add3A_109 : i32
      %lt3A_111 = arith.constant 20 : i32
      %lt3A_112 = arith.cmpi slt, %add3A_110, %lt3A_111 : i32
      %convert_element_type3A_113 = arith.extui %lt3A_112 : i1 to i32
      %cond3A_114 = arith.constant 0 : i32
      %cond3A_115 = arith.cmpi ne, %convert_element_type3A_113, %cond3A_114 : i32
      scf.if %cond3A_115 {
        %add3A_168 = arith.constant 4 : i32
        %add3A_169 = arith.addi %add3A_93, %add3A_168 : i32
        %dma_start3A_170 = arith.constant 1 : i32
        %dma_start3A_171 = arith.constant 1 : i32
        %dma_start3A_172 = arith.constant 0 : i32
        %dma_start3A_173 = arith.constant 0 : i32
        %dma_start3A_174 = tpu.memref_slice %arg9[%dma_start3A_170, %dma_start3A_172, %dma_start3A_173] : memref<4x512x16xf32, #tpu.memory_space<vmem>> -> memref<1x512x16xf32, #tpu.memory_space<vmem>>
        %dma_start3A_175 = tpu.memref_squeeze %dma_start3A_174 : memref<1x512x16xf32, #tpu.memory_space<vmem>> -> memref<512x16xf32, #tpu.memory_space<vmem>>
        %dma_start3A_176 = arith.constant 0 : i32
        %dma_start3A_177 = tpu.memref_slice %arg7[%add3A_169, %dma_start3A_176] : memref<20x512xi32, #tpu.memory_space<vmem>> -> memref<1x512xi32, #tpu.memory_space<vmem>>
        %dma_start3A_178 = tpu.memref_squeeze %dma_start3A_177 : memref<1x512xi32, #tpu.memory_space<vmem>> -> memref<512xi32, #tpu.memory_space<vmem>>
        %dma_start3A_179 = arith.constant 0 : i32
        %dma_start3A_180 = arith.constant 0 : i32
        %dma_start3A_181 = tpu.memref_slice %arg2[%dma_start3A_179, %dma_start3A_180] : memref<10240x16xf32, #tpu.memory_space<hbm>> -> memref<10240x16xf32, #tpu.memory_space<hbm>>
        %dma_start3A_182 = tpu.memref_slice %arg11[%dma_start3A_171] : memref<4x!tpu.dma_semaphore, #tpu.memory_space<semaphore_mem>> -> memref<1x!tpu.dma_semaphore, #tpu.memory_space<semaphore_mem>>
        %dma_start3A_183 = tpu.memref_squeeze %dma_start3A_182 : memref<1x!tpu.dma_semaphore, #tpu.memory_space<semaphore_mem>> -> memref<!tpu.dma_semaphore, #tpu.memory_space<semaphore_mem>>
        tpu.enqueue_indirect_dma source(%dma_start3A_181 : memref<10240x16xf32, #tpu.memory_space<hbm>>) target(%dma_start3A_175 : memref<512x16xf32, #tpu.memory_space<vmem>>) offsets(%dma_start3A_178 : memref<512xi32, #tpu.memory_space<vmem>>) semaphore(%dma_start3A_183 : memref<!tpu.dma_semaphore, #tpu.memory_space<semaphore_mem>>)
      } else {
      }
      %mul3A_116 = arith.constant 4 : i32
      %mul3A_117 = arith.muli %scan3A_68, %mul3A_116 : i32
      %add3A_118 = arith.constant 2 : i32
      %add3A_119 = arith.addi %mul3A_117, %add3A_118 : i32
      %dma_wait3A_120 = arith.constant 2 : i32
      %dma_wait3A_121 = arith.constant 2 : i32
      %dma_wait3A_122 = arith.constant 0 : i32
      %dma_wait3A_123 = arith.constant 0 : i32
      %dma_wait3A_124 = tpu.memref_slice %arg9[%dma_wait3A_120, %dma_wait3A_122, %dma_wait3A_123] : memref<4x512x16xf32, #tpu.memory_space<vmem>> -> memref<1x512x16xf32, #tpu.memory_space<vmem>>
      %dma_wait3A_125 = tpu.memref_squeeze %dma_wait3A_124 : memref<1x512x16xf32, #tpu.memory_space<vmem>> -> memref<512x16xf32, #tpu.memory_space<vmem>>
      %dma_wait3A_126 = arith.constant 0 : i32
      %dma_wait3A_127 = tpu.memref_slice %arg7[%add3A_119, %dma_wait3A_126] : memref<20x512xi32, #tpu.memory_space<vmem>> -> memref<1x512xi32, #tpu.memory_space<vmem>>
      %dma_wait3A_128 = tpu.memref_squeeze %dma_wait3A_127 : memref<1x512xi32, #tpu.memory_space<vmem>> -> memref<512xi32, #tpu.memory_space<vmem>>
      %dma_wait3A_129 = arith.constant 0 : i32
      %dma_wait3A_130 = arith.constant 0 : i32
      %dma_wait3A_131 = tpu.memref_slice %arg2[%dma_wait3A_129, %dma_wait3A_130] : memref<10240x16xf32, #tpu.memory_space<hbm>> -> memref<10240x16xf32, #tpu.memory_space<hbm>>
      %dma_wait3A_132 = tpu.memref_slice %arg11[%dma_wait3A_121] : memref<4x!tpu.dma_semaphore, #tpu.memory_space<semaphore_mem>> -> memref<1x!tpu.dma_semaphore, #tpu.memory_space<semaphore_mem>>
      %dma_wait3A_133 = tpu.memref_squeeze %dma_wait3A_132 : memref<1x!tpu.dma_semaphore, #tpu.memory_space<semaphore_mem>> -> memref<!tpu.dma_semaphore, #tpu.memory_space<semaphore_mem>>
      tpu.wait_indirect_dma semaphore(%dma_wait3A_133 : memref<!tpu.dma_semaphore, #tpu.memory_space<semaphore_mem>>) src(%dma_wait3A_131 : memref<10240x16xf32, #tpu.memory_space<hbm>>) dst(%dma_wait3A_125 : memref<512x16xf32, #tpu.memory_space<vmem>>)
      %run_scoped3A_134 = arith.constant 2 : i32
      "tpu.region"() ({
        %run_scoped3A_168 = tpu.sem_alloc : memref<!tpu.dma_semaphore, #tpu.memory_space<semaphore_mem>>
        %dma_start3A_169 = arith.constant 0 : i32
        %dma_start3A_170 = arith.constant 0 : i32
        %dma_start3A_171 = tpu.memref_slice %arg9[%run_scoped3A_134, %dma_start3A_169, %dma_start3A_170] : memref<4x512x16xf32, #tpu.memory_space<vmem>> -> memref<1x512x16xf32, #tpu.memory_space<vmem>>
        %dma_start3A_172 = tpu.memref_squeeze %dma_start3A_171 : memref<1x512x16xf32, #tpu.memory_space<vmem>> -> memref<512x16xf32, #tpu.memory_space<vmem>>
        %dma_start3A_173 = arith.constant 0 : i32
        %dma_start3A_174 = tpu.memref_slice %arg8[%add3A_119, %dma_start3A_173] : memref<20x512xi32, #tpu.memory_space<vmem>> -> memref<1x512xi32, #tpu.memory_space<vmem>>
        %dma_start3A_175 = tpu.memref_squeeze %dma_start3A_174 : memref<1x512xi32, #tpu.memory_space<vmem>> -> memref<512xi32, #tpu.memory_space<vmem>>
        %dma_start3A_176 = arith.constant 0 : i32
        %dma_start3A_177 = arith.constant 0 : i32
        %dma_start3A_178 = tpu.memref_slice %arg10[%dma_start3A_176, %dma_start3A_177] : memref<10240x16xf32, #tpu.memory_space<vmem_shared>> -> memref<10240x16xf32, #tpu.memory_space<vmem_shared>>
        tpu.enqueue_indirect_dma source(%dma_start3A_172 : memref<512x16xf32, #tpu.memory_space<vmem>>) target(%dma_start3A_178 : memref<10240x16xf32, #tpu.memory_space<vmem_shared>>) offsets(%dma_start3A_175 : memref<512xi32, #tpu.memory_space<vmem>>) semaphore(%run_scoped3A_168 : memref<!tpu.dma_semaphore, #tpu.memory_space<semaphore_mem>>) {add = true}
        %dma_wait3A_179 = arith.constant 0 : i32
        %dma_wait3A_180 = arith.constant 0 : i32
        %dma_wait3A_181 = tpu.memref_slice %arg9[%run_scoped3A_134, %dma_wait3A_179, %dma_wait3A_180] : memref<4x512x16xf32, #tpu.memory_space<vmem>> -> memref<1x512x16xf32, #tpu.memory_space<vmem>>
        %dma_wait3A_182 = tpu.memref_squeeze %dma_wait3A_181 : memref<1x512x16xf32, #tpu.memory_space<vmem>> -> memref<512x16xf32, #tpu.memory_space<vmem>>
        %dma_wait3A_183 = arith.constant 0 : i32
        %dma_wait3A_184 = tpu.memref_slice %arg8[%add3A_119, %dma_wait3A_183] : memref<20x512xi32, #tpu.memory_space<vmem>> -> memref<1x512xi32, #tpu.memory_space<vmem>>
        %dma_wait3A_185 = tpu.memref_squeeze %dma_wait3A_184 : memref<1x512xi32, #tpu.memory_space<vmem>> -> memref<512xi32, #tpu.memory_space<vmem>>
        %dma_wait3A_186 = arith.constant 0 : i32
        %dma_wait3A_187 = arith.constant 0 : i32
        %dma_wait3A_188 = tpu.memref_slice %arg10[%dma_wait3A_186, %dma_wait3A_187] : memref<10240x16xf32, #tpu.memory_space<vmem_shared>> -> memref<10240x16xf32, #tpu.memory_space<vmem_shared>>
        tpu.wait_indirect_dma semaphore(%run_scoped3A_168 : memref<!tpu.dma_semaphore, #tpu.memory_space<semaphore_mem>>) src(%dma_wait3A_182 : memref<512x16xf32, #tpu.memory_space<vmem>>) dst(%dma_wait3A_188 : memref<10240x16xf32, #tpu.memory_space<vmem_shared>>)
        tpu.yield
      }) : () -> ()
      %add3A_135 = arith.constant 4 : i32
      %add3A_136 = arith.addi %add3A_119, %add3A_135 : i32
      %lt3A_137 = arith.constant 20 : i32
      %lt3A_138 = arith.cmpi slt, %add3A_136, %lt3A_137 : i32
      %convert_element_type3A_139 = arith.extui %lt3A_138 : i1 to i32
      %cond3A_140 = arith.constant 0 : i32
      %cond3A_141 = arith.cmpi ne, %convert_element_type3A_139, %cond3A_140 : i32
      scf.if %cond3A_141 {
        %add3A_168 = arith.constant 4 : i32
        %add3A_169 = arith.addi %add3A_119, %add3A_168 : i32
        %dma_start3A_170 = arith.constant 2 : i32
        %dma_start3A_171 = arith.constant 2 : i32
        %dma_start3A_172 = arith.constant 0 : i32
        %dma_start3A_173 = arith.constant 0 : i32
        %dma_start3A_174 = tpu.memref_slice %arg9[%dma_start3A_170, %dma_start3A_172, %dma_start3A_173] : memref<4x512x16xf32, #tpu.memory_space<vmem>> -> memref<1x512x16xf32, #tpu.memory_space<vmem>>
        %dma_start3A_175 = tpu.memref_squeeze %dma_start3A_174 : memref<1x512x16xf32, #tpu.memory_space<vmem>> -> memref<512x16xf32, #tpu.memory_space<vmem>>
        %dma_start3A_176 = arith.constant 0 : i32
        %dma_start3A_177 = tpu.memref_slice %arg7[%add3A_169, %dma_start3A_176] : memref<20x512xi32, #tpu.memory_space<vmem>> -> memref<1x512xi32, #tpu.memory_space<vmem>>
        %dma_start3A_178 = tpu.memref_squeeze %dma_start3A_177 : memref<1x512xi32, #tpu.memory_space<vmem>> -> memref<512xi32, #tpu.memory_space<vmem>>
        %dma_start3A_179 = arith.constant 0 : i32
        %dma_start3A_180 = arith.constant 0 : i32
        %dma_start3A_181 = tpu.memref_slice %arg2[%dma_start3A_179, %dma_start3A_180] : memref<10240x16xf32, #tpu.memory_space<hbm>> -> memref<10240x16xf32, #tpu.memory_space<hbm>>
        %dma_start3A_182 = tpu.memref_slice %arg11[%dma_start3A_171] : memref<4x!tpu.dma_semaphore, #tpu.memory_space<semaphore_mem>> -> memref<1x!tpu.dma_semaphore, #tpu.memory_space<semaphore_mem>>
        %dma_start3A_183 = tpu.memref_squeeze %dma_start3A_182 : memref<1x!tpu.dma_semaphore, #tpu.memory_space<semaphore_mem>> -> memref<!tpu.dma_semaphore, #tpu.memory_space<semaphore_mem>>
        tpu.enqueue_indirect_dma source(%dma_start3A_181 : memref<10240x16xf32, #tpu.memory_space<hbm>>) target(%dma_start3A_175 : memref<512x16xf32, #tpu.memory_space<vmem>>) offsets(%dma_start3A_178 : memref<512xi32, #tpu.memory_space<vmem>>) semaphore(%dma_start3A_183 : memref<!tpu.dma_semaphore, #tpu.memory_space<semaphore_mem>>)
      } else {
      }
      %mul3A_142 = arith.constant 4 : i32
      %mul3A_143 = arith.muli %scan3A_68, %mul3A_142 : i32
      %add3A_144 = arith.constant 3 : i32
      %add3A_145 = arith.addi %mul3A_143, %add3A_144 : i32
      %dma_wait3A_146 = arith.constant 3 : i32
      %dma_wait3A_147 = arith.constant 3 : i32
      %dma_wait3A_148 = arith.constant 0 : i32
      %dma_wait3A_149 = arith.constant 0 : i32
      %dma_wait3A_150 = tpu.memref_slice %arg9[%dma_wait3A_146, %dma_wait3A_148, %dma_wait3A_149] : memref<4x512x16xf32, #tpu.memory_space<vmem>> -> memref<1x512x16xf32, #tpu.memory_space<vmem>>
      %dma_wait3A_151 = tpu.memref_squeeze %dma_wait3A_150 : memref<1x512x16xf32, #tpu.memory_space<vmem>> -> memref<512x16xf32, #tpu.memory_space<vmem>>
      %dma_wait3A_152 = arith.constant 0 : i32
      %dma_wait3A_153 = tpu.memref_slice %arg7[%add3A_145, %dma_wait3A_152] : memref<20x512xi32, #tpu.memory_space<vmem>> -> memref<1x512xi32, #tpu.memory_space<vmem>>
      %dma_wait3A_154 = tpu.memref_squeeze %dma_wait3A_153 : memref<1x512xi32, #tpu.memory_space<vmem>> -> memref<512xi32, #tpu.memory_space<vmem>>
      %dma_wait3A_155 = arith.constant 0 : i32
      %dma_wait3A_156 = arith.constant 0 : i32
      %dma_wait3A_157 = tpu.memref_slice %arg2[%dma_wait3A_155, %dma_wait3A_156] : memref<10240x16xf32, #tpu.memory_space<hbm>> -> memref<10240x16xf32, #tpu.memory_space<hbm>>
      %dma_wait3A_158 = tpu.memref_slice %arg11[%dma_wait3A_147] : memref<4x!tpu.dma_semaphore, #tpu.memory_space<semaphore_mem>> -> memref<1x!tpu.dma_semaphore, #tpu.memory_space<semaphore_mem>>
      %dma_wait3A_159 = tpu.memref_squeeze %dma_wait3A_158 : memref<1x!tpu.dma_semaphore, #tpu.memory_space<semaphore_mem>> -> memref<!tpu.dma_semaphore, #tpu.memory_space<semaphore_mem>>
      tpu.wait_indirect_dma semaphore(%dma_wait3A_159 : memref<!tpu.dma_semaphore, #tpu.memory_space<semaphore_mem>>) src(%dma_wait3A_157 : memref<10240x16xf32, #tpu.memory_space<hbm>>) dst(%dma_wait3A_151 : memref<512x16xf32, #tpu.memory_space<vmem>>)
      %run_scoped3A_160 = arith.constant 3 : i32
      "tpu.region"() ({
        %run_scoped3A_168 = tpu.sem_alloc : memref<!tpu.dma_semaphore, #tpu.memory_space<semaphore_mem>>
        %dma_start3A_169 = arith.constant 0 : i32
        %dma_start3A_170 = arith.constant 0 : i32
        %dma_start3A_171 = tpu.memref_slice %arg9[%run_scoped3A_160, %dma_start3A_169, %dma_start3A_170] : memref<4x512x16xf32, #tpu.memory_space<vmem>> -> memref<1x512x16xf32, #tpu.memory_space<vmem>>
        %dma_start3A_172 = tpu.memref_squeeze %dma_start3A_171 : memref<1x512x16xf32, #tpu.memory_space<vmem>> -> memref<512x16xf32, #tpu.memory_space<vmem>>
        %dma_start3A_173 = arith.constant 0 : i32
        %dma_start3A_174 = tpu.memref_slice %arg8[%add3A_145, %dma_start3A_173] : memref<20x512xi32, #tpu.memory_space<vmem>> -> memref<1x512xi32, #tpu.memory_space<vmem>>
        %dma_start3A_175 = tpu.memref_squeeze %dma_start3A_174 : memref<1x512xi32, #tpu.memory_space<vmem>> -> memref<512xi32, #tpu.memory_space<vmem>>
        %dma_start3A_176 = arith.constant 0 : i32
        %dma_start3A_177 = arith.constant 0 : i32
        %dma_start3A_178 = tpu.memref_slice %arg10[%dma_start3A_176, %dma_start3A_177] : memref<10240x16xf32, #tpu.memory_space<vmem_shared>> -> memref<10240x16xf32, #tpu.memory_space<vmem_shared>>
        tpu.enqueue_indirect_dma source(%dma_start3A_172 : memref<512x16xf32, #tpu.memory_space<vmem>>) target(%dma_start3A_178 : memref<10240x16xf32, #tpu.memory_space<vmem_shared>>) offsets(%dma_start3A_175 : memref<512xi32, #tpu.memory_space<vmem>>) semaphore(%run_scoped3A_168 : memref<!tpu.dma_semaphore, #tpu.memory_space<semaphore_mem>>) {add = true}
        %dma_wait3A_179 = arith.constant 0 : i32
        %dma_wait3A_180 = arith.constant 0 : i32
        %dma_wait3A_181 = tpu.memref_slice %arg9[%run_scoped3A_160, %dma_wait3A_179, %dma_wait3A_180] : memref<4x512x16xf32, #tpu.memory_space<vmem>> -> memref<1x512x16xf32, #tpu.memory_space<vmem>>
        %dma_wait3A_182 = tpu.memref_squeeze %dma_wait3A_181 : memref<1x512x16xf32, #tpu.memory_space<vmem>> -> memref<512x16xf32, #tpu.memory_space<vmem>>
        %dma_wait3A_183 = arith.constant 0 : i32
        %dma_wait3A_184 = tpu.memref_slice %arg8[%add3A_145, %dma_wait3A_183] : memref<20x512xi32, #tpu.memory_space<vmem>> -> memref<1x512xi32, #tpu.memory_space<vmem>>
        %dma_wait3A_185 = tpu.memref_squeeze %dma_wait3A_184 : memref<1x512xi32, #tpu.memory_space<vmem>> -> memref<512xi32, #tpu.memory_space<vmem>>
        %dma_wait3A_186 = arith.constant 0 : i32
        %dma_wait3A_187 = arith.constant 0 : i32
        %dma_wait3A_188 = tpu.memref_slice %arg10[%dma_wait3A_186, %dma_wait3A_187] : memref<10240x16xf32, #tpu.memory_space<vmem_shared>> -> memref<10240x16xf32, #tpu.memory_space<vmem_shared>>
        tpu.wait_indirect_dma semaphore(%run_scoped3A_168 : memref<!tpu.dma_semaphore, #tpu.memory_space<semaphore_mem>>) src(%dma_wait3A_182 : memref<512x16xf32, #tpu.memory_space<vmem>>) dst(%dma_wait3A_188 : memref<10240x16xf32, #tpu.memory_space<vmem_shared>>)
        tpu.yield
      }) : () -> ()
      %add3A_161 = arith.constant 4 : i32
      %add3A_162 = arith.addi %add3A_145, %add3A_161 : i32
      %lt3A_163 = arith.constant 20 : i32
      %lt3A_164 = arith.cmpi slt, %add3A_162, %lt3A_163 : i32
      %convert_element_type3A_165 = arith.extui %lt3A_164 : i1 to i32
      %cond3A_166 = arith.constant 0 : i32
      %cond3A_167 = arith.cmpi ne, %convert_element_type3A_165, %cond3A_166 : i32
      scf.if %cond3A_167 {
        %add3A_168 = arith.constant 4 : i32
        %add3A_169 = arith.addi %add3A_145, %add3A_168 : i32
        %dma_start3A_170 = arith.constant 3 : i32
        %dma_start3A_171 = arith.constant 3 : i32
        %dma_start3A_172 = arith.constant 0 : i32
        %dma_start3A_173 = arith.constant 0 : i32
        %dma_start3A_174 = tpu.memref_slice %arg9[%dma_start3A_170, %dma_start3A_172, %dma_start3A_173] : memref<4x512x16xf32, #tpu.memory_space<vmem>> -> memref<1x512x16xf32, #tpu.memory_space<vmem>>
        %dma_start3A_175 = tpu.memref_squeeze %dma_start3A_174 : memref<1x512x16xf32, #tpu.memory_space<vmem>> -> memref<512x16xf32, #tpu.memory_space<vmem>>
        %dma_start3A_176 = arith.constant 0 : i32
        %dma_start3A_177 = tpu.memref_slice %arg7[%add3A_169, %dma_start3A_176] : memref<20x512xi32, #tpu.memory_space<vmem>> -> memref<1x512xi32, #tpu.memory_space<vmem>>
        %dma_start3A_178 = tpu.memref_squeeze %dma_start3A_177 : memref<1x512xi32, #tpu.memory_space<vmem>> -> memref<512xi32, #tpu.memory_space<vmem>>
        %dma_start3A_179 = arith.constant 0 : i32
        %dma_start3A_180 = arith.constant 0 : i32
        %dma_start3A_181 = tpu.memref_slice %arg2[%dma_start3A_179, %dma_start3A_180] : memref<10240x16xf32, #tpu.memory_space<hbm>> -> memref<10240x16xf32, #tpu.memory_space<hbm>>
        %dma_start3A_182 = tpu.memref_slice %arg11[%dma_start3A_171] : memref<4x!tpu.dma_semaphore, #tpu.memory_space<semaphore_mem>> -> memref<1x!tpu.dma_semaphore, #tpu.memory_space<semaphore_mem>>
        %dma_start3A_183 = tpu.memref_squeeze %dma_start3A_182 : memref<1x!tpu.dma_semaphore, #tpu.memory_space<semaphore_mem>> -> memref<!tpu.dma_semaphore, #tpu.memory_space<semaphore_mem>>
        tpu.enqueue_indirect_dma source(%dma_start3A_181 : memref<10240x16xf32, #tpu.memory_space<hbm>>) target(%dma_start3A_175 : memref<512x16xf32, #tpu.memory_space<vmem>>) offsets(%dma_start3A_178 : memref<512xi32, #tpu.memory_space<vmem>>) semaphore(%dma_start3A_183 : memref<!tpu.dma_semaphore, #tpu.memory_space<semaphore_mem>>)
      } else {
      }
    }
    %scan3A_66 = arith.constant 5 : i32
    %barrier3A_67 = arith.constant 0 : index
    tpu.barrier barrier_id(%barrier3A_67)
    "tpu.region"() ({
      %run_scoped3A = tpu.sem_alloc : memref<!tpu.dma_semaphore, #tpu.memory_space<semaphore_mem>>
      %dma_start3A_68 = arith.constant 0 : i32
      %dma_start3A_69 = tpu.memref_slice %arg6[%arg0, %mul3A_2, %dma_start3A_68] : memref<2x10240x16xf32, #tpu.memory_space<hbm>> -> memref<1x640x16xf32, #tpu.memory_space<hbm>>
      %dma_start3A_70 = tpu.memref_squeeze %dma_start3A_69 : memref<1x640x16xf32, #tpu.memory_space<hbm>> -> memref<640x16xf32, #tpu.memory_space<hbm>>
      %dma_start3A_71 = arith.constant 0 : i32
      %dma_start3A_72 = tpu.memref_slice %arg10[%mul3A_2, %dma_start3A_71] : memref<10240x16xf32, #tpu.memory_space<vmem_shared>> -> memref<640x16xf32, #tpu.memory_space<vmem_shared>>
      tpu.enqueue_dma source(%dma_start3A_72 : memref<640x16xf32, #tpu.memory_space<vmem_shared>>) target(%dma_start3A_70 : memref<640x16xf32, #tpu.memory_space<hbm>>) target_semaphore(%run_scoped3A : memref<!tpu.dma_semaphore, #tpu.memory_space<semaphore_mem>>)
      %dma_wait3A = arith.constant 0 : i32
      %dma_wait3A_73 = tpu.memref_slice %arg6[%arg0, %mul3A_2, %dma_wait3A] : memref<2x10240x16xf32, #tpu.memory_space<hbm>> -> memref<1x640x16xf32, #tpu.memory_space<hbm>>
      %dma_wait3A_74 = tpu.memref_squeeze %dma_wait3A_73 : memref<1x640x16xf32, #tpu.memory_space<hbm>> -> memref<640x16xf32, #tpu.memory_space<hbm>>
      %dma_wait3A_75 = arith.constant 0 : i32
      %dma_wait3A_76 = tpu.memref_slice %arg10[%mul3A_2, %dma_wait3A_75] : memref<10240x16xf32, #tpu.memory_space<vmem_shared>> -> memref<640x16xf32, #tpu.memory_space<vmem_shared>>
      tpu.wait_dma2 semaphore(%run_scoped3A : memref<!tpu.dma_semaphore, #tpu.memory_space<semaphore_mem>>) src(%dma_wait3A_76 : memref<640x16xf32, #tpu.memory_space<vmem_shared>>) dst(%dma_wait3A_74 : memref<640x16xf32, #tpu.memory_space<hbm>>)
      tpu.yield
    }) : () -> ()
    return
  }
}

#map = affine_map<(d0, d1) -> (0, 0, 0)>
#map1 = affine_map<(d0, d1) -> (0)>
#map2 = affine_map<(d0, d1) -> (0, 0)>
module attributes {stable_mosaic.version = 14 : i64} {
  func.func @_deg_kernel(%arg0: i32, %arg1: i32, %arg2: memref<32x20x512xi32, #tpu.memory_space<hbm>>, %arg3: memref<512xf32, #tpu.memory_space<hbm>>, %arg4: memref<10240xf32, #tpu.memory_space<hbm>>, %arg5: memref<2x163840xf32, #tpu.memory_space<hbm>>, %arg6: memref<20x512xi32, #tpu.memory_space<vmem>>, %arg7: memref<512xf32, #tpu.memory_space<vmem>>, %arg8: memref<163840xf32, #tpu.memory_space<vmem_shared>>, %arg9: memref<!tpu.dma_semaphore, #tpu.memory_space<semaphore_mem>>) attributes {dimension_semantics = [#tpu.dimension_semantics<core_parallel>, #tpu.dimension_semantics<subcore_parallel>], iteration_bounds = array<i64: 2, 16>, scalar_prefetch = 0 : i64, scratch_operands = 4 : i64, tpu.core_type = #tpu.core_type<sc_vector_subcore>, window_params = [{transform_indices = #map}, {transform_indices = #map1}, {transform_indices = #map1}, {transform_indices = #map2}]} {
    %mul3A = arith.constant 16 : i32
    %mul3A_0 = arith.muli %arg0, %mul3A : i32
    %add3A = arith.addi %mul3A_0, %arg1 : i32
    %mul3A_1 = arith.constant 10240 : i32
    %mul3A_2 = arith.muli %arg1, %mul3A_1 : i32
    "tpu.region"() ({
      %run_scoped3A = tpu.sem_alloc : memref<!tpu.dma_semaphore, #tpu.memory_space<semaphore_mem>>
      %dma_start3A = tpu.memref_slice %arg8[%mul3A_2] : memref<163840xf32, #tpu.memory_space<vmem_shared>> -> memref<10240xf32, #tpu.memory_space<vmem_shared>>
      tpu.enqueue_dma source(%arg4 : memref<10240xf32, #tpu.memory_space<hbm>>) target(%dma_start3A : memref<10240xf32, #tpu.memory_space<vmem_shared>>) target_semaphore(%run_scoped3A : memref<!tpu.dma_semaphore, #tpu.memory_space<semaphore_mem>>)
      %dma_wait3A = tpu.memref_slice %arg8[%mul3A_2] : memref<163840xf32, #tpu.memory_space<vmem_shared>> -> memref<10240xf32, #tpu.memory_space<vmem_shared>>
      tpu.wait_dma2 semaphore(%run_scoped3A : memref<!tpu.dma_semaphore, #tpu.memory_space<semaphore_mem>>) src(%arg4 : memref<10240xf32, #tpu.memory_space<hbm>>) dst(%dma_wait3A : memref<10240xf32, #tpu.memory_space<vmem_shared>>)
      tpu.yield
    }) : () -> ()
    "tpu.region"() ({
      %run_scoped3A = tpu.sem_alloc : memref<!tpu.dma_semaphore, #tpu.memory_space<semaphore_mem>>
      tpu.enqueue_dma source(%arg3 : memref<512xf32, #tpu.memory_space<hbm>>) target(%arg7 : memref<512xf32, #tpu.memory_space<vmem>>) target_semaphore(%run_scoped3A : memref<!tpu.dma_semaphore, #tpu.memory_space<semaphore_mem>>)
      tpu.wait_dma2 semaphore(%run_scoped3A : memref<!tpu.dma_semaphore, #tpu.memory_space<semaphore_mem>>) src(%arg3 : memref<512xf32, #tpu.memory_space<hbm>>) dst(%arg7 : memref<512xf32, #tpu.memory_space<vmem>>)
      tpu.yield
    }) : () -> ()
    "tpu.region"() ({
      %run_scoped3A = tpu.sem_alloc : memref<!tpu.dma_semaphore, #tpu.memory_space<semaphore_mem>>
      %dma_start3A = arith.constant 0 : i32
      %dma_start3A_9 = arith.constant 0 : i32
      %dma_start3A_10 = tpu.memref_slice %arg2[%add3A, %dma_start3A, %dma_start3A_9] : memref<32x20x512xi32, #tpu.memory_space<hbm>> -> memref<1x20x512xi32, #tpu.memory_space<hbm>>
      %dma_start3A_11 = tpu.memref_squeeze %dma_start3A_10 : memref<1x20x512xi32, #tpu.memory_space<hbm>> -> memref<20x512xi32, #tpu.memory_space<hbm>>
      %dma_start3A_12 = arith.constant 0 : i32
      %dma_start3A_13 = arith.constant 0 : i32
      %dma_start3A_14 = tpu.memref_slice %arg2[%add3A, %dma_start3A_12, %dma_start3A_13] : memref<32x20x512xi32, #tpu.memory_space<hbm>> -> memref<1x20x512xi32, #tpu.memory_space<hbm>>
      %dma_start3A_15 = tpu.memref_squeeze %dma_start3A_14 : memref<1x20x512xi32, #tpu.memory_space<hbm>> -> memref<20x512xi32, #tpu.memory_space<hbm>>
      tpu.enqueue_dma source(%dma_start3A_15 : memref<20x512xi32, #tpu.memory_space<hbm>>) target(%arg6 : memref<20x512xi32, #tpu.memory_space<vmem>>) target_semaphore(%run_scoped3A : memref<!tpu.dma_semaphore, #tpu.memory_space<semaphore_mem>>)
      %dma_wait3A = arith.constant 0 : i32
      %dma_wait3A_16 = arith.constant 0 : i32
      %dma_wait3A_17 = tpu.memref_slice %arg2[%add3A, %dma_wait3A, %dma_wait3A_16] : memref<32x20x512xi32, #tpu.memory_space<hbm>> -> memref<1x20x512xi32, #tpu.memory_space<hbm>>
      %dma_wait3A_18 = tpu.memref_squeeze %dma_wait3A_17 : memref<1x20x512xi32, #tpu.memory_space<hbm>> -> memref<20x512xi32, #tpu.memory_space<hbm>>
      %dma_wait3A_19 = arith.constant 0 : i32
      %dma_wait3A_20 = arith.constant 0 : i32
      %dma_wait3A_21 = tpu.memref_slice %arg2[%add3A, %dma_wait3A_19, %dma_wait3A_20] : memref<32x20x512xi32, #tpu.memory_space<hbm>> -> memref<1x20x512xi32, #tpu.memory_space<hbm>>
      %dma_wait3A_22 = tpu.memref_squeeze %dma_wait3A_21 : memref<1x20x512xi32, #tpu.memory_space<hbm>> -> memref<20x512xi32, #tpu.memory_space<hbm>>
      tpu.wait_dma2 semaphore(%run_scoped3A : memref<!tpu.dma_semaphore, #tpu.memory_space<semaphore_mem>>) src(%dma_wait3A_22 : memref<20x512xi32, #tpu.memory_space<hbm>>) dst(%arg6 : memref<20x512xi32, #tpu.memory_space<vmem>>)
      tpu.yield
    }) : () -> ()
    %barrier3A = arith.constant 0 : index
    tpu.barrier barrier_id(%barrier3A)
    %scan3A = arith.constant 0 : i32
    %scan3A_3 = arith.constant 0 : i32
    %scan3A_4 = arith.constant 20 : i32
    %scan3A_5 = arith.addi %scan3A_3, %scan3A_4 : i32
    %scan3A_6 = arith.constant 1 : i32
    scf.for %scan3A_9 = %scan3A_3 to %scan3A_5 step %scan3A_6  : i32 {
      "tpu.region"() ({
        %run_scoped3A = tpu.sem_alloc : memref<!tpu.dma_semaphore, #tpu.memory_space<semaphore_mem>>
        %dma_start3A = arith.constant 0 : i32
        %dma_start3A_10 = tpu.memref_slice %arg6[%scan3A_9, %dma_start3A] : memref<20x512xi32, #tpu.memory_space<vmem>> -> memref<1x512xi32, #tpu.memory_space<vmem>>
        %dma_start3A_11 = tpu.memref_squeeze %dma_start3A_10 : memref<1x512xi32, #tpu.memory_space<vmem>> -> memref<512xi32, #tpu.memory_space<vmem>>
        %dma_start3A_12 = arith.constant 0 : i32
        %dma_start3A_13 = tpu.memref_slice %arg8[%dma_start3A_12] : memref<163840xf32, #tpu.memory_space<vmem_shared>> -> memref<163840xf32, #tpu.memory_space<vmem_shared>>
        tpu.enqueue_indirect_dma source(%arg7 : memref<512xf32, #tpu.memory_space<vmem>>) target(%dma_start3A_13 : memref<163840xf32, #tpu.memory_space<vmem_shared>>) offsets(%dma_start3A_11 : memref<512xi32, #tpu.memory_space<vmem>>) semaphore(%run_scoped3A : memref<!tpu.dma_semaphore, #tpu.memory_space<semaphore_mem>>) {add = true}
        %dma_wait3A = arith.constant 0 : i32
        %dma_wait3A_14 = tpu.memref_slice %arg6[%scan3A_9, %dma_wait3A] : memref<20x512xi32, #tpu.memory_space<vmem>> -> memref<1x512xi32, #tpu.memory_space<vmem>>
        %dma_wait3A_15 = tpu.memref_squeeze %dma_wait3A_14 : memref<1x512xi32, #tpu.memory_space<vmem>> -> memref<512xi32, #tpu.memory_space<vmem>>
        %dma_wait3A_16 = arith.constant 0 : i32
        %dma_wait3A_17 = tpu.memref_slice %arg8[%dma_wait3A_16] : memref<163840xf32, #tpu.memory_space<vmem_shared>> -> memref<163840xf32, #tpu.memory_space<vmem_shared>>
        tpu.wait_indirect_dma semaphore(%run_scoped3A : memref<!tpu.dma_semaphore, #tpu.memory_space<semaphore_mem>>) src(%arg7 : memref<512xf32, #tpu.memory_space<vmem>>) dst(%dma_wait3A_17 : memref<163840xf32, #tpu.memory_space<vmem_shared>>)
        tpu.yield
      }) : () -> ()
    }
    %scan3A_7 = arith.constant 20 : i32
    %barrier3A_8 = arith.constant 0 : index
    tpu.barrier barrier_id(%barrier3A_8)
    "tpu.region"() ({
      %run_scoped3A = tpu.sem_alloc : memref<!tpu.dma_semaphore, #tpu.memory_space<semaphore_mem>>
      %dma_start3A = tpu.memref_slice %arg5[%arg0, %mul3A_2] : memref<2x163840xf32, #tpu.memory_space<hbm>> -> memref<1x10240xf32, #tpu.memory_space<hbm>>
      %dma_start3A_9 = tpu.memref_squeeze %dma_start3A : memref<1x10240xf32, #tpu.memory_space<hbm>> -> memref<10240xf32, #tpu.memory_space<hbm>>
      %dma_start3A_10 = tpu.memref_slice %arg8[%mul3A_2] : memref<163840xf32, #tpu.memory_space<vmem_shared>> -> memref<10240xf32, #tpu.memory_space<vmem_shared>>
      tpu.enqueue_dma source(%dma_start3A_10 : memref<10240xf32, #tpu.memory_space<vmem_shared>>) target(%dma_start3A_9 : memref<10240xf32, #tpu.memory_space<hbm>>) target_semaphore(%run_scoped3A : memref<!tpu.dma_semaphore, #tpu.memory_space<semaphore_mem>>)
      %dma_wait3A = tpu.memref_slice %arg5[%arg0, %mul3A_2] : memref<2x163840xf32, #tpu.memory_space<hbm>> -> memref<1x10240xf32, #tpu.memory_space<hbm>>
      %dma_wait3A_11 = tpu.memref_squeeze %dma_wait3A : memref<1x10240xf32, #tpu.memory_space<hbm>> -> memref<10240xf32, #tpu.memory_space<hbm>>
      %dma_wait3A_12 = tpu.memref_slice %arg8[%mul3A_2] : memref<163840xf32, #tpu.memory_space<vmem_shared>> -> memref<10240xf32, #tpu.memory_space<vmem_shared>>
      tpu.wait_dma2 semaphore(%run_scoped3A : memref<!tpu.dma_semaphore, #tpu.memory_space<semaphore_mem>>) src(%dma_wait3A_12 : memref<10240xf32, #tpu.memory_space<vmem_shared>>) dst(%dma_wait3A_11 : memref<10240xf32, #tpu.memory_space<hbm>>)
      tpu.yield
    }) : () -> ()
    return
  }
}

module attributes {stable_mosaic.version = 14 : i64} {
  func.func @_matmul_body(%arg0: memref<1250x8x128xf32, #tpu.memory_space<vmem>>, %arg1: memref<16x128xf32, #tpu.memory_space<vmem>>, %arg2: memref<1250x128xf32, #tpu.memory_space<vmem>>) attributes {dimension_semantics = [], scalar_prefetch = 0 : i64, scratch_operands = 0 : i64, tpu.core_type = #tpu.core_type<tc>} {
    %get3A = arith.constant 0 : index
    %get3A_0 = arith.constant 0 : index
    %get3A_1 = arith.constant 0 : index
    %get3A_2 = vector.load %arg0[%get3A, %get3A_0, %get3A_1] : memref<1250x8x128xf32, #tpu.memory_space<vmem>>, vector<1250x1x128xf32>
    %get3A_3 = vector.shape_cast %get3A_2 : vector<1250x1x128xf32> to vector<1250x128xf32>
    %get3A_4 = arith.constant 0 : index
    %get3A_5 = arith.constant 0 : index
    %get3A_6 = vector.load %arg1[%get3A_4, %get3A_5] : memref<16x128xf32, #tpu.memory_space<vmem>>, vector<16x128xf32>
    %dot_general3A = arith.constant dense<0.000000e+00> : vector<1250x16xf32>
    %dot_general3A_7 = tpu.matmul %get3A_3, %get3A_6, %dot_general3A {dimension_numbers = #tpu.dot_dimension_numbers<[1], [1], [0], [0], [0, 0, 1, 0], [], []>, transpose_lhs_hint = false} : vector<1250x128xf32>, vector<16x128xf32>, vector<1250x16xf32> -> vector<1250x16xf32>
    %get3A_8 = arith.constant 0 : index
    %get3A_9 = arith.constant 1 : index
    %get3A_10 = arith.constant 0 : index
    %get3A_11 = vector.load %arg0[%get3A_8, %get3A_9, %get3A_10] : memref<1250x8x128xf32, #tpu.memory_space<vmem>>, vector<1250x1x128xf32>
    %get3A_12 = vector.shape_cast %get3A_11 : vector<1250x1x128xf32> to vector<1250x128xf32>
    %get3A_13 = arith.constant 0 : index
    %get3A_14 = arith.constant 0 : index
    %get3A_15 = vector.load %arg1[%get3A_13, %get3A_14] : memref<16x128xf32, #tpu.memory_space<vmem>>, vector<16x128xf32>
    %dot_general3A_16 = arith.constant dense<0.000000e+00> : vector<1250x16xf32>
    %dot_general3A_17 = tpu.matmul %get3A_12, %get3A_15, %dot_general3A_16 {dimension_numbers = #tpu.dot_dimension_numbers<[1], [1], [0], [0], [0, 0, 1, 0], [], []>, transpose_lhs_hint = false} : vector<1250x128xf32>, vector<16x128xf32>, vector<1250x16xf32> -> vector<1250x16xf32>
    %get3A_18 = arith.constant 0 : index
    %get3A_19 = arith.constant 2 : index
    %get3A_20 = arith.constant 0 : index
    %get3A_21 = vector.load %arg0[%get3A_18, %get3A_19, %get3A_20] : memref<1250x8x128xf32, #tpu.memory_space<vmem>>, vector<1250x1x128xf32>
    %get3A_22 = vector.shape_cast %get3A_21 : vector<1250x1x128xf32> to vector<1250x128xf32>
    %get3A_23 = arith.constant 0 : index
    %get3A_24 = arith.constant 0 : index
    %get3A_25 = vector.load %arg1[%get3A_23, %get3A_24] : memref<16x128xf32, #tpu.memory_space<vmem>>, vector<16x128xf32>
    %dot_general3A_26 = arith.constant dense<0.000000e+00> : vector<1250x16xf32>
    %dot_general3A_27 = tpu.matmul %get3A_22, %get3A_25, %dot_general3A_26 {dimension_numbers = #tpu.dot_dimension_numbers<[1], [1], [0], [0], [0, 0, 1, 0], [], []>, transpose_lhs_hint = false} : vector<1250x128xf32>, vector<16x128xf32>, vector<1250x16xf32> -> vector<1250x16xf32>
    %get3A_28 = arith.constant 0 : index
    %get3A_29 = arith.constant 3 : index
    %get3A_30 = arith.constant 0 : index
    %get3A_31 = vector.load %arg0[%get3A_28, %get3A_29, %get3A_30] : memref<1250x8x128xf32, #tpu.memory_space<vmem>>, vector<1250x1x128xf32>
    %get3A_32 = vector.shape_cast %get3A_31 : vector<1250x1x128xf32> to vector<1250x128xf32>
    %get3A_33 = arith.constant 0 : index
    %get3A_34 = arith.constant 0 : index
    %get3A_35 = vector.load %arg1[%get3A_33, %get3A_34] : memref<16x128xf32, #tpu.memory_space<vmem>>, vector<16x128xf32>
    %dot_general3A_36 = arith.constant dense<0.000000e+00> : vector<1250x16xf32>
    %dot_general3A_37 = tpu.matmul %get3A_32, %get3A_35, %dot_general3A_36 {dimension_numbers = #tpu.dot_dimension_numbers<[1], [1], [0], [0], [0, 0, 1, 0], [], []>, transpose_lhs_hint = false} : vector<1250x128xf32>, vector<16x128xf32>, vector<1250x16xf32> -> vector<1250x16xf32>
    %get3A_38 = arith.constant 0 : index
    %get3A_39 = arith.constant 4 : index
    %get3A_40 = arith.constant 0 : index
    %get3A_41 = vector.load %arg0[%get3A_38, %get3A_39, %get3A_40] : memref<1250x8x128xf32, #tpu.memory_space<vmem>>, vector<1250x1x128xf32>
    %get3A_42 = vector.shape_cast %get3A_41 : vector<1250x1x128xf32> to vector<1250x128xf32>
    %get3A_43 = arith.constant 0 : index
    %get3A_44 = arith.constant 0 : index
    %get3A_45 = vector.load %arg1[%get3A_43, %get3A_44] : memref<16x128xf32, #tpu.memory_space<vmem>>, vector<16x128xf32>
    %dot_general3A_46 = arith.constant dense<0.000000e+00> : vector<1250x16xf32>
    %dot_general3A_47 = tpu.matmul %get3A_42, %get3A_45, %dot_general3A_46 {dimension_numbers = #tpu.dot_dimension_numbers<[1], [1], [0], [0], [0, 0, 1, 0], [], []>, transpose_lhs_hint = false} : vector<1250x128xf32>, vector<16x128xf32>, vector<1250x16xf32> -> vector<1250x16xf32>
    %get3A_48 = arith.constant 0 : index
    %get3A_49 = arith.constant 5 : index
    %get3A_50 = arith.constant 0 : index
    %get3A_51 = vector.load %arg0[%get3A_48, %get3A_49, %get3A_50] : memref<1250x8x128xf32, #tpu.memory_space<vmem>>, vector<1250x1x128xf32>
    %get3A_52 = vector.shape_cast %get3A_51 : vector<1250x1x128xf32> to vector<1250x128xf32>
    %get3A_53 = arith.constant 0 : index
    %get3A_54 = arith.constant 0 : index
    %get3A_55 = vector.load %arg1[%get3A_53, %get3A_54] : memref<16x128xf32, #tpu.memory_space<vmem>>, vector<16x128xf32>
    %dot_general3A_56 = arith.constant dense<0.000000e+00> : vector<1250x16xf32>
    %dot_general3A_57 = tpu.matmul %get3A_52, %get3A_55, %dot_general3A_56 {dimension_numbers = #tpu.dot_dimension_numbers<[1], [1], [0], [0], [0, 0, 1, 0], [], []>, transpose_lhs_hint = false} : vector<1250x128xf32>, vector<16x128xf32>, vector<1250x16xf32> -> vector<1250x16xf32>
    %get3A_58 = arith.constant 0 : index
    %get3A_59 = arith.constant 6 : index
    %get3A_60 = arith.constant 0 : index
    %get3A_61 = vector.load %arg0[%get3A_58, %get3A_59, %get3A_60] : memref<1250x8x128xf32, #tpu.memory_space<vmem>>, vector<1250x1x128xf32>
    %get3A_62 = vector.shape_cast %get3A_61 : vector<1250x1x128xf32> to vector<1250x128xf32>
    %get3A_63 = arith.constant 0 : index
    %get3A_64 = arith.constant 0 : index
    %get3A_65 = vector.load %arg1[%get3A_63, %get3A_64] : memref<16x128xf32, #tpu.memory_space<vmem>>, vector<16x128xf32>
    %dot_general3A_66 = arith.constant dense<0.000000e+00> : vector<1250x16xf32>
    %dot_general3A_67 = tpu.matmul %get3A_62, %get3A_65, %dot_general3A_66 {dimension_numbers = #tpu.dot_dimension_numbers<[1], [1], [0], [0], [0, 0, 1, 0], [], []>, transpose_lhs_hint = false} : vector<1250x128xf32>, vector<16x128xf32>, vector<1250x16xf32> -> vector<1250x16xf32>
    %get3A_68 = arith.constant 0 : index
    %get3A_69 = arith.constant 7 : index
    %get3A_70 = arith.constant 0 : index
    %get3A_71 = vector.load %arg0[%get3A_68, %get3A_69, %get3A_70] : memref<1250x8x128xf32, #tpu.memory_space<vmem>>, vector<1250x1x128xf32>
    %get3A_72 = vector.shape_cast %get3A_71 : vector<1250x1x128xf32> to vector<1250x128xf32>
    %get3A_73 = arith.constant 0 : index
    %get3A_74 = arith.constant 0 : index
    %get3A_75 = vector.load %arg1[%get3A_73, %get3A_74] : memref<16x128xf32, #tpu.memory_space<vmem>>, vector<16x128xf32>
    %dot_general3A_76 = arith.constant dense<0.000000e+00> : vector<1250x16xf32>
    %dot_general3A_77 = tpu.matmul %get3A_72, %get3A_75, %dot_general3A_76 {dimension_numbers = #tpu.dot_dimension_numbers<[1], [1], [0], [0], [0, 0, 1, 0], [], []>, transpose_lhs_hint = false} : vector<1250x128xf32>, vector<16x128xf32>, vector<1250x16xf32> -> vector<1250x16xf32>
    %concatenate3A = tpu.concatenate %dot_general3A_7, %dot_general3A_17, %dot_general3A_27, %dot_general3A_37, %dot_general3A_47, %dot_general3A_57, %dot_general3A_67, %dot_general3A_77 in 1 : vector<1250x16xf32>, vector<1250x16xf32>, vector<1250x16xf32>, vector<1250x16xf32>, vector<1250x16xf32>, vector<1250x16xf32>, vector<1250x16xf32>, vector<1250x16xf32> -> vector<1250x128xf32>
    %swap3A = arith.constant 0 : index
    %swap3A_78 = arith.constant 0 : index
    %swap3A_79 = vector.load %arg2[%swap3A, %swap3A_78] : memref<1250x128xf32, #tpu.memory_space<vmem>>, vector<1250x128xf32>
    tpu.vector_store %arg2[%swap3A, %swap3A_78], %concatenate3A {strides = array<i32>} : memref<1250x128xf32, #tpu.memory_space<vmem>>, vector<1250x128xf32>,
    return
  }
}

module attributes {stable_mosaic.version = 14 : i64} {
  func.func @_scale_body(%arg0: memref<1250x128xf32, #tpu.memory_space<vmem>>, %arg1: memref<2x1280x128xf32, #tpu.memory_space<vmem>>, %arg2: memref<128x128xf32, #tpu.memory_space<vmem>>, %arg3: memref<1280x128xf32, #tpu.memory_space<vmem>>, %arg4: memref<1280x128xf32, #tpu.memory_space<vmem>>) attributes {dimension_semantics = [], scalar_prefetch = 0 : i64, scratch_operands = 0 : i64, tpu.core_type = #tpu.core_type<tc>} {
    %get3A = arith.constant 0 : index
    %get3A_0 = arith.constant 0 : index
    %get3A_1 = arith.constant 0 : index
    %get3A_2 = vector.load %arg1[%get3A, %get3A_0, %get3A_1] : memref<2x1280x128xf32, #tpu.memory_space<vmem>>, vector<1x1280x128xf32>
    %get3A_3 = vector.shape_cast %get3A_2 : vector<1x1280x128xf32> to vector<1280x128xf32>
    %get3A_4 = arith.constant 1 : index
    %get3A_5 = arith.constant 0 : index
    %get3A_6 = arith.constant 0 : index
    %get3A_7 = vector.load %arg1[%get3A_4, %get3A_5, %get3A_6] : memref<2x1280x128xf32, #tpu.memory_space<vmem>>, vector<1x1280x128xf32>
    %get3A_8 = vector.shape_cast %get3A_7 : vector<1x1280x128xf32> to vector<1280x128xf32>
    %add3A = arith.addf %get3A_3, %get3A_8 : vector<1280x128xf32>
    %get3A_9 = arith.constant 0 : index
    %get3A_10 = arith.constant 0 : index
    %get3A_11 = vector.load %arg2[%get3A_9, %get3A_10] : memref<128x128xf32, #tpu.memory_space<vmem>>, vector<128x128xf32>
    %dot_general3A = arith.constant dense<0.000000e+00> : vector<1280x128xf32>
    %dot_general3A_12 = tpu.matmul %add3A, %get3A_11, %dot_general3A {dimension_numbers = #tpu.dot_dimension_numbers<[1], [0], [0], [1], [0, 0, 1, 1], [], []>, transpose_lhs_hint = false} : vector<1280x128xf32>, vector<128x128xf32>, vector<1280x128xf32> -> vector<1280x128xf32>
    %add3A_13 = arith.constant 1.000000e+00 : f32
    %add3A_14 = vector.broadcast %add3A_13 : f32 to vector<1280x128xf32>
    %add3A_15 = arith.addf %dot_general3A_12, %add3A_14 : vector<1280x128xf32>
    %rsqrt3A = math.rsqrt %add3A_15 : vector<1280x128xf32>
    %swap3A = arith.constant 0 : index
    %swap3A_16 = arith.constant 0 : index
    %swap3A_17 = vector.load %arg4[%swap3A, %swap3A_16] : memref<1280x128xf32, #tpu.memory_space<vmem>>, vector<1280x128xf32>
    tpu.vector_store %arg4[%swap3A, %swap3A_16], %rsqrt3A {strides = array<i32>} : memref<1280x128xf32, #tpu.memory_space<vmem>>, vector<1280x128xf32>,
    %slice3A = vector.extract_strided_slice %rsqrt3A {offsets = [0, 0], sizes = [1250, 128], strides = [1, 1]} : vector<1280x128xf32> to vector<1250x128xf32>
    %get3A_18 = arith.constant 0 : index
    %get3A_19 = arith.constant 0 : index
    %get3A_20 = vector.load %arg0[%get3A_18, %get3A_19] : memref<1250x128xf32, #tpu.memory_space<vmem>>, vector<1250x128xf32>
    %mul3A = arith.mulf %slice3A, %get3A_20 : vector<1250x128xf32>
    %broadcast_in_dim3A = arith.constant 0.000000e+00 : f32
    %broadcast_in_dim3A_21 = vector.broadcast %broadcast_in_dim3A : f32 to vector<30x128xf32>
    %concatenate3A = tpu.concatenate %mul3A, %broadcast_in_dim3A_21 in 0 : vector<1250x128xf32>, vector<30x128xf32> -> vector<1280x128xf32>
    %swap3A_22 = arith.constant 0 : index
    %swap3A_23 = arith.constant 0 : index
    %swap3A_24 = vector.load %arg3[%swap3A_22, %swap3A_23] : memref<1280x128xf32, #tpu.memory_space<vmem>>, vector<1280x128xf32>
    tpu.vector_store %arg3[%swap3A_22, %swap3A_23], %concatenate3A {strides = array<i32>} : memref<1280x128xf32, #tpu.memory_space<vmem>>, vector<1280x128xf32>,
    return
  }
}

module attributes {stable_mosaic.version = 14 : i64} {
  func.func @_finish_body(%arg0: memref<2x1280x128xf32, #tpu.memory_space<vmem>>, %arg1: memref<1280x128xf32, #tpu.memory_space<vmem>>, %arg2: memref<1280x128xf32, #tpu.memory_space<vmem>>, %arg3: memref<128x128xf32, #tpu.memory_space<vmem>>, %arg4: memref<1x128xf32, #tpu.memory_space<vmem>>, %arg5: memref<1250x128xf32, #tpu.memory_space<vmem>>) attributes {dimension_semantics = [], scalar_prefetch = 0 : i64, scratch_operands = 0 : i64, tpu.core_type = #tpu.core_type<tc>} {
    %get3A = arith.constant 0 : index
    %get3A_0 = arith.constant 0 : index
    %get3A_1 = arith.constant 0 : index
    %get3A_2 = vector.load %arg0[%get3A, %get3A_0, %get3A_1] : memref<2x1280x128xf32, #tpu.memory_space<vmem>>, vector<1x1280x128xf32>
    %get3A_3 = vector.shape_cast %get3A_2 : vector<1x1280x128xf32> to vector<1280x128xf32>
    %get3A_4 = arith.constant 1 : index
    %get3A_5 = arith.constant 0 : index
    %get3A_6 = arith.constant 0 : index
    %get3A_7 = vector.load %arg0[%get3A_4, %get3A_5, %get3A_6] : memref<2x1280x128xf32, #tpu.memory_space<vmem>>, vector<1x1280x128xf32>
    %get3A_8 = vector.shape_cast %get3A_7 : vector<1x1280x128xf32> to vector<1280x128xf32>
    %add3A = arith.addf %get3A_3, %get3A_8 : vector<1280x128xf32>
    %get3A_9 = arith.constant 0 : index
    %get3A_10 = arith.constant 0 : index
    %get3A_11 = vector.load %arg1[%get3A_9, %get3A_10] : memref<1280x128xf32, #tpu.memory_space<vmem>>, vector<1280x128xf32>
    %add3A_12 = arith.addf %add3A, %get3A_11 : vector<1280x128xf32>
    %get3A_13 = arith.constant 0 : index
    %get3A_14 = arith.constant 0 : index
    %get3A_15 = vector.load %arg2[%get3A_13, %get3A_14] : memref<1280x128xf32, #tpu.memory_space<vmem>>, vector<1280x128xf32>
    %mul3A = arith.mulf %get3A_15, %add3A_12 : vector<1280x128xf32>
    %get3A_16 = arith.constant 0 : index
    %get3A_17 = arith.constant 0 : index
    %get3A_18 = vector.load %arg4[%get3A_16, %get3A_17] : memref<1x128xf32, #tpu.memory_space<vmem>>, vector<1x128xf32>
    %add3A_19 = vector.broadcast %get3A_18 : vector<1x128xf32> to vector<1280x128xf32>
    %add3A_20 = arith.addf %mul3A, %add3A_19 : vector<1280x128xf32>
    %reduce_max3A = vector.shape_cast %add3A_20 : vector<1280x128xf32> to vector<1x1280x128xf32>
    %reduce_max3A_21 = arith.constant dense<0xFF800000> : vector<1xf32>
    %reduce_max3A_22 = vector.multi_reduction <maximumf>, %reduce_max3A, %reduce_max3A_21 [1, 2] : vector<1x1280x128xf32> to vector<1xf32>
    %reduce_max3A_23 = vector.shape_cast %reduce_max3A_22 : vector<1xf32> to vector<1x1x1xf32>
    %reduce_max3A_24 = vector.extract %reduce_max3A_23[0, 0, 0] : f32 from vector<1x1x1xf32>
    %sub3A = vector.broadcast %reduce_max3A_24 : f32 to vector<1280x128xf32>
    %sub3A_25 = arith.subf %add3A_20, %sub3A : vector<1280x128xf32>
    %exp3A = math.exp %sub3A_25 : vector<1280x128xf32>
    %get3A_26 = arith.constant 0 : index
    %get3A_27 = arith.constant 0 : index
    %get3A_28 = vector.load %arg3[%get3A_26, %get3A_27] : memref<128x128xf32, #tpu.memory_space<vmem>>, vector<128x128xf32>
    %dot_general3A = arith.constant dense<0.000000e+00> : vector<1280x128xf32>
    %dot_general3A_29 = tpu.matmul %exp3A, %get3A_28, %dot_general3A {dimension_numbers = #tpu.dot_dimension_numbers<[1], [0], [0], [1], [0, 0, 1, 1], [], []>, transpose_lhs_hint = false} : vector<1280x128xf32>, vector<128x128xf32>, vector<1280x128xf32> -> vector<1280x128xf32>
    %sub3A_30 = vector.broadcast %reduce_max3A_24 : f32 to vector<1280x128xf32>
    %sub3A_31 = arith.subf %add3A_20, %sub3A_30 : vector<1280x128xf32>
    %log3A = math.log %dot_general3A_29 : vector<1280x128xf32>
    %sub3A_32 = arith.subf %sub3A_31, %log3A : vector<1280x128xf32>
    %slice3A = vector.extract_strided_slice %sub3A_32 {offsets = [0, 0], sizes = [1250, 128], strides = [1, 1]} : vector<1280x128xf32> to vector<1250x128xf32>
    %swap3A = arith.constant 0 : index
    %swap3A_33 = arith.constant 0 : index
    %swap3A_34 = vector.load %arg5[%swap3A, %swap3A_33] : memref<1250x128xf32, #tpu.memory_space<vmem>>, vector<1250x128xf32>
    tpu.vector_store %arg5[%swap3A, %swap3A_33], %slice3A {strides = array<i32>} : memref<1250x128xf32, #tpu.memory_space<vmem>>, vector<1250x128xf32>,
    return
  }
}

</mosaic_0001>

<sc_bundles>
// kernel: kernel.10.cloned.1.call-start
scs
__scs_entry_jumppad:
0x0: {  	(pc) =	sbr.rel $0x88, $3  }
0x1: {  	(tag) =	ssettag $0x0;
	lr =	simm.s32 $0x1  }
0x2: {  	[smem:$0x3F9D] =	sst lr;
	_ =	strace $0xD0000000  }
0x3: {  	_ = 	snop  }
0x4: {  	_ = 	snop  }
0x5: {  	_ = 	snop  }
0x6: {  	_ = 	snop  }
0x7: {  	_ = 	snop  }
__scs_overlays_trampoline_lowered:
0x8: {  	[smem:$0x3FAC] =	sst s0  }
0x9: {  	[smem:$0x3FAD] =	sst s1  }
0xa: {  	[smem:$0x3FAE] =	sst s2  }
0xb: {  	[smem:$0x3FAF] =	sst s3  }
0xc: {  	[smem:$0x3FB0] =	sst s4  }
0xd: {  	[smem:$0x3FB1] =	sst s5  }
0xe: {  	[smem:$0x3FB2] =	sst s6  }
0xf: {  	[smem:$0x3FB3] =	sst s7  }
0x10: {  	[smem:$0x3FB4] =	sst s8  }
0x11: {  	[smem:$0x3FB5] =	sst s9;
	s0 =	simm.s32 @!p0 $0x0  }
0x12: {  	s1 =	sld [smem:$0x3F9B];
	s0 =	simm.s32 @p0 $0x1  }
0x13: {  	[smem:$0x3FB6] =	sst s0;
	s0 =	simm.s32 @!p1 $0x0  }
0x14: {  	s2 =	sld [smem:$0x3F9A];
	s0 =	simm.s32 @p1 $0x1  }
0x15: {  	[smem:$0x3FB7] =	sst s0;
	s0 =	simm.s32 @!p2 $0x0  }
0x16: {  	s3 =	sld [smem:$0x3FDB];
	s0 =	simm.s32 @p2 $0x1  }
0x17: {  	s4 =	simm.s32 $0x1BF5;
	[smem:$0x3FB9] =	sst s0  }
0x18: {  	s0 =	sld [smem:$0x3F9C];
	_ =	swait.ge [sflag:s4], $0x0  }
0x19: {  	s7 =	sld [smem:$0x3F9D]  }
0x1a: {  	s8 =	sadd.s32 $0xFFFFE003, lr  }
0x1b: {  	s9 =	sadd.s32 $0xFFFFFEF7, lr;
	s5 =	simm.s32 $0xFFFFFFFF;
	p2 =	slt.u32 s8, $0xFFFFF086  }
0x1c: {  	p1 =	slt.u32 s9, $0xF7A;
	s5 =	simm.s32 @!p2 $0x0  }
0x1d: {  	s5 =	simm.s32 @p1 $0x1;
	p0 =	seq.s32 s7, s2  }
0x1e: {  	s7 =	smul.u32 @!p0 $0xF7A, s2;
	p2 =	seq.s32 @!p0 s5, $0x0  }
0x1f: {  	s9 =	smul.u32 $0xF7A, s1;
	s8 =	simm.s32 @!p0 $0x1BF5;
	p2 =	por !p2, p0  }
0x20: {  	[sflag:s8] =	ssyncset.s32 @!p0 $0xFFFFF086;
	s6 =	sadd.s32 @!p0 s3, s7;
	s7 =	simm.s32 @!p0 $0x108  }
0x21: {  	s3 =	sadd.s32 s3, s9;
	s6 =	sadd.s32 @!p0 $0x88, s6;
	s7 =	simm.s32 @p2 $0x1082  }
0x22: {  	[simem:s7], [sflag:s8] =	dma.local @!p0 [hbm:s6], $0xF7A  }
0x23: {  	s9 =	sor.u32 $0xD0000000, s2;
	s6 =	simm.s32 $0x108;
	_ =	swait.ge @!p0 [sflag:s8], $0x0  }
0x24: {  	s3 =	sadd.s32 $0x88, s3;
	s6 =	simm.s32 @!p1 $0x1082;
	[sflag:s4] =	ssyncset.s32 $0xFFFFF086  }
0x25: {  	[simem:s6], [sflag:s4] =	dma.local [hbm:s3], $0xF7A  }
0x26: {  	[smem:$0x3F9D] =	sst s1;
	(tag) =	ssettag s2;
	_ =	strace s9  }
0x27: {  	s1 =	sld [smem:$0x3FAD]  }
0x28: {  	s2 =	sld [smem:$0x3FAE]  }
0x29: {  	s4 =	sld [smem:$0x3FB0]  }
0x2a: {  	p0 =	seq.s32 s5, $0x0;
	s5 =	sld [smem:$0x3FB1]  }
0x2b: {  	s6 =	sld [smem:$0x3FB2]  }
0x2c: {  	s7 =	sld [smem:$0x3FB3]  }
0x2d: {  	s3 =	simm.s32 $0x108;
	s8 =	sld [smem:$0x3FB4]  }
0x2e: {  	s3 =	simm.s32 @!p0 $0x1082;
	s9 =	sld [smem:$0x3FB5]  }
0x2f: {  	lr =	sadd.s32 s0, s3;
	s0 =	sld [smem:$0x3FAC]  }
0x30: {  	s3 =	sld [smem:$0x3FAF]  }
0x31: {  	[smem:$0x3FB8] =	sst s10  }
0x32: {  	s10 =	sld [smem:$0x3FB6];
	_ =	sdelay $0x3  }
0x33: {  	p0 =	seq.s32 s10, $0x1;
	s10 =	sld [smem:$0x3FB8];
	_ =	sdelay $0x3  }
0x34: {  	[smem:$0x3FB8] =	sst s10  }
0x35: {  	s10 =	sld [smem:$0x3FB7];
	_ =	sdelay $0x3  }
0x36: {  	p1 =	seq.s32 s10, $0x1;
	s10 =	sld [smem:$0x3FB8];
	_ =	sdelay $0x3  }
0x37: {  	[smem:$0x3FB8] =	sst s10  }
0x38: {  	s10 =	sld [smem:$0x3FB9]  }
0x39: {  	_ = 	snop;
	(pc) =	sbr.ind lr, $3  }
0x3a: {  	_ = 	snop  }
0x3b: {  	_ = 	snop  }
0x3c: {  	p2 =	seq.s32 s10, $0x1;
	s10 =	sld [smem:$0x3FB8]  }
0x3d: {  	_ =	shalt  }
0x3e: {  	_ =	shalt  }
0x3f: {  	_ =	shalt  }
0x40: {  	_ =	shalt  }
0x41: {  	_ =	shalt  }
0x42: {  	_ =	shalt  }
0x43: {  	_ =	shalt  }
0x44: {  	_ =	shalt  }
0x45: {  	_ =	shalt  }
0x46: {  	_ =	shalt  }
0x47: {  	_ =	shalt  }
0x48: {  	_ =	shalt  }
0x49: {  	_ =	shalt  }
0x4a: {  	_ =	shalt  }
0x4b: {  	_ =	shalt  }
0x4c: {  	_ =	shalt  }
0x4d: {  	_ =	shalt  }
0x4e: {  	_ =	shalt  }
0x4f: {  	_ =	shalt  }
0x50: {  	_ =	shalt  }
0x51: {  	_ =	shalt  }
0x52: {  	_ =	shalt  }
0x53: {  	_ =	shalt  }
0x54: {  	_ =	shalt  }
0x55: {  	_ =	shalt  }
0x56: {  	_ =	shalt  }
0x57: {  	_ =	shalt  }
0x58: {  	_ =	shalt  }
0x59: {  	_ =	shalt  }
0x5a: {  	_ =	shalt  }
0x5b: {  	_ =	shalt  }
0x5c: {  	_ =	shalt  }
0x5d: {  	_ =	shalt  }
0x5e: {  	_ =	shalt  }
0x5f: {  	_ =	shalt  }
0x60: {  	_ =	shalt  }
0x61: {  	_ =	shalt  }
0x62: {  	_ =	shalt  }
0x63: {  	_ =	shalt  }
0x64: {  	_ =	shalt  }
0x65: {  	_ =	shalt  }
0x66: {  	_ =	shalt  }
0x67: {  	_ =	shalt  }
0x68: {  	_ =	shalt  }
0x69: {  	_ =	shalt  }
0x6a: {  	_ =	shalt  }
0x6b: {  	_ =	shalt  }
0x6c: {  	_ =	shalt  }
0x6d: {  	_ =	shalt  }
0x6e: {  	_ =	shalt  }
0x6f: {  	_ =	shalt  }
0x70: {  	_ =	shalt  }
0x71: {  	_ =	shalt  }
0x72: {  	_ =	shalt  }
0x73: {  	_ =	shalt  }
0x74: {  	_ =	shalt  }
0x75: {  	_ =	shalt  }
0x76: {  	_ =	shalt  }
0x77: {  	_ =	shalt  }
0x78: {  	_ =	shalt  }
0x79: {  	_ =	shalt  }
0x7a: {  	_ =	shalt  }
0x7b: {  	_ =	shalt  }
0x7c: {  	_ =	shalt  }
0x7d: {  	_ =	shalt  }
0x7e: {  	_ =	shalt  }
0x7f: {  	_ =	shalt  }
0x80: {  	_ =	shalt  }
0x81: {  	_ =	shalt  }
0x82: {  	_ =	shalt  }
0x83: {  	_ =	shalt  }
0x84: {  	_ =	shalt  }
0x85: {  	_ =	shalt  }
0x86: {  	_ =	shalt  }
0x87: {  	_ =	shalt  }
.Lfunc_end0:
.L_simem_size_0:
called_computation.1_lowered:
.L_overlay_start_0:
0x88: {  	s2 =	sld [smem:$0x3FD9]  }
0x89: {  	s3 =	sld [smem:$0x3FFE];
	_ =	sdelay $0x1  }
0x8a: {  	s1 =	srdreg.scid  }
0x8b: {  	s0 =	sand.u32 $0x1, s1  }
0x8c: {  	s17 =	sshll.u32 s0, $0xA;
	s2 =	sadd.s32 s3, s2  }
0x8d: {  	s2 =	sadd.s32 s2, s17  }
0x8e: {  	[smem:$0x3FC4] =	sst s2  }
0x8f: {  	_ = 	snop  }
0x90: {  	s2 =	sld [smem:$0x3FD0];
	(tm) =	ssettm $0x1  }
0x91: {  	s18 =	sld [smem:$0x3FFB];
	_ =	sdelay $0x3  }
0x92: {  	_ =	strace s18  }
0x93: {  	s3 =	sld [smem:$0x3FFC];
	_ =	sdelay $0x3  }
0x94: {  	_ =	strace s3  }
0x95: {  	s3 =	sld [smem:$0x3FFD];
	_ =	sdelay $0x3  }
0x96: {  	_ =	strace s3  }
0x97: {  	_ =	strace $0x8FFFFFFF  }
0x98: {  	s19 =	sld [smem:$0x3FDB];
	_ =	sdelay $0x1  }
0x99: {  	s4 =	simm.s32 $_scs_section_size  }
0x9a: {  	s5 =	simm.s32 $_size__tile_overlayer_lowered;
	s6 =	simm.s32 $_tile_overlayer_lowered  }
0x9b: {  	s22 =	simm.s32 $0x1BFF;
	s21 =	sshll.u32 s6, $0x1;
	s3 =	sadd.s32 s4, s19  }
0x9c: {  	s7 =	simm.s32 $0x0;
	s20 =	sshll.u32 s5, $0x1;
	s5 =	sadd.s32 s21, s3  }
0x9d: {  	[timem:s7], [sflag:s22] =	dma.local [hbm:s5], s20  }
0x9e: {  	_ =	swait.ge [sflag:s22], s20  }
0x9f: {  	s4 =	ssub.s32 $0x0, s20;
	[sflag:s22] =	ssyncset.done $0x0  }
0xa0: {  	[sflag:s22] =	ssyncadd.s32 s4;
	_ =	sdelay $0x1  }
0xa1: {  	s23 =	simm.s32 $0x1B8B  }
0xa2: {  	_ =	swait.ge [sflag:s23], $0x1  }
0xa3: {  	[sflag:s23] =	ssyncset.done $0x0  }
0xa4: {  	s25 =	simm.s32 $0x1B8E;
	s24 =	sld [smem:$0x3FFE];
	[sflag:s23] =	ssyncadd.s32 $0xFFFFFFFF  }
0xa5: {  	s26 =	simm.s32 $execute0_lowered;
	[smem:$0x3FD2] =	sst s25  }
0xa6: {  	s5 =	sshll.u32 s26, $0x1;
	_ =	strace $0x80000049;
	[dreg:$0x1] =	wrdreg $0xFFFFFFFF  }
0xa7: {  	s28 =	simm.s32 $_size_execute0_lowered;
	s3 =	sadd.s32 s3, s5;
	[dreg:$0x0] =	wrdreg $0x0  }
0xa8: {  	s5 =	sshll.u32 s28, $0x1;
	[dreg:$0x2] =	wrdreg s3  }
0xa9: {  	[dreg:$0x3] =	wrdreg s5  }
0xaa: {  	[dreg:$0x4] =	wrdreg $0xC0  }
0xab: {  	_ =	task [dreg:s7], $0x5FFFF  }
0xac: {  	[dreg:$0x1] =	wrdreg $0xFFFFFFFF  }
0xad: {  	[dreg:$0x0] =	wrdreg $0x60  }
0xae: {  	[dreg:$0x2] =	wrdreg s24  }
0xaf: {  	[dreg:$0x3] =	wrdreg s2  }
0xb0: {  	[dreg:$0x4] =	wrdreg $0xD0000  }
0xb1: {  	[dreg:$0x5] =	wrdreg $0x9  }
0xb2: {  	_ =	task.clear_ibuf [dreg:s7], $0x6FFFF;
	_ =	strace $0x90000049  }
0xb3: {  	s29 =	simm.s32 $0x9;
	_ =	strace $0x8000004B  }
0xb4: {  	_ =	swait.ge [sflag:s29], $0x1  }
0xb5: {  	[sflag:s29] =	ssyncadd.s32 $0xFFFFFFFF  }
0xb6: {  	_ =	strace $0x9000004B  }
0xb7: {  	_ =	sfence  }
0xb8: {  	s30 =	sld [smem:$0x0];
	_ =	sdelay $0x2  }
0xb9: {  	s31 =	sshll.u32 s1, $0xD;
	s1 =	sshrl.u32 s1, $0x2  }
0xba: {  	s3 =	sand.u32 $0x4000, s31;
	s1 =	sadd.s32 s1, s30  }
0xbb: {  	s0 =	sor.u32 s3, s0;
	s1 =	sshll.u32 s1, $0x11  }
0xbc: {  	s0 =	sor.u32 s1, s0  }
0xbd: {  	s0 =	sadd.s32 $0x8F2B, s0  }
0xbe: {  	[sflag:s0] =	ssyncadd.remote.s32 $0x1  }
0xbf: {  	_ =	sfence.sel $0xFFFF  }
0xc0: {  	[dreg:$0x0] =	wrdreg $0xFFFFFFFF;
	(pc) =	sbr.abs _section_cstart, $3  }
0xc1: {  	[dreg:$0x1] =	wrdreg $0xFFFFFFFF  }
0xc2: {  	_ =	task.clear_ibuf [dreg:s7], $0x2FFFF;
	_ =	strace $0x9FFFFFFF  }
0xc3: {  	(tm) =	ssettm $0x7FFFFFFF  }
tec
execute0_lowered:
.L_overlay_start_1:
0x0: {  	(tag) =	ssettag $0x1  }
0x1: {  	s3 =	rddreg [dreg:$0x0]  }
0x2: {  	s2 =	rddreg [dreg:$0x1]  }
0x3: {  	[dreg:$0x4] =	wrdreg s2  }
0x4: {  	s30 =	simm.s32 $0x0;
	s2 =	rddreg [dreg:$0x2]  }
0x5: {  	s22 =	simm.s32 $0x400;
	[smem:$0x7FF] =	sst s30  }
0x6: {  	s23 =	simm.s32 $0x600;
	_ =	strace $0x8000004A;
	[dreg:$0x8] =	wrdreg s22  }
0x7: {  	s24 =	simm.s32 $0x800;
	[dreg:$0x9] =	wrdreg s23  }
0x8: {  	s25 =	simm.s32 $0x2A00;
	[dreg:$0xa] =	wrdreg s24  }
0x9: {  	s0 =	srdreg.scid;
	s26 =	simm.s32 $0xA00;
	[dreg:$0xb] =	wrdreg s25  }
0xa: {  	s16 =	stileid.u32;
	s7 =	simm.s32 $0xC00;
	[dreg:$0xc] =	wrdreg s26  }
0xb: {  	s8 =	simm.s32 $0x2E00;
	s9 =	simm.s32 $0xE00;
	[dreg:$0xe] =	wrdreg s7  }
0xc: {  	s11 =	simm.s32 $0x3000;
	s12 =	simm.s32 $0x1000;
	[dreg:$0xf] =	wrdreg s8  }
0xd: {  	s13 =	simm.s32 $0x3200;
	s14 =	simm.s32 $0x1200;
	[dreg:$0x10] =	wrdreg s9  }
0xe: {  	s15 =	simm.s32 $0x3400;
	s31 =	simm.s32 $0x2800;
	[dreg:$0x11] =	wrdreg s11  }
0xf: {  	s17 =	simm.s32 $0x1400;
	s18 =	simm.s32 $0x3600;
	[dreg:$0x12] =	wrdreg s12  }
0x10: {  	s19 =	simm.s32 $0x1600;
	s20 =	simm.s32 $0x3800;
	[dreg:$0x13] =	wrdreg s13  }
0x11: {  	s29 =	simm.s32 $0x4000;
	s28 =	simm.s32 $0x2000;
	[dreg:$0x14] =	wrdreg s14  }
0x12: {  	p0 =	por $0x0, $0x0;
	s0 =	sand.u32 $0x1, s0;
	[dreg:$0x15] =	wrdreg s15  }
0x13: {  	s4 =	smul.u32 $0x2800, s16;
	s10 =	sshll.u32 s16, $0x6;
	[dreg:$0x16] =	wrdreg s17  }
0x14: {  	s1 =	sshll.u32 s0, $0x4;
	s5 =	smul.u32 $0x28000, s0;
	[dreg:$0x17] =	wrdreg s18  }
0x15: {  	s0 =	ssub.s32 $0x2, s0;
	s7 =	simm.s32 $0x200;
	[dreg:$0x18] =	wrdreg s19  }
0x16: {  	s11 =	simm.s32 $0x5000;
	s9 =	simm.s32 $0x9000;
	[dreg:$0x19] =	wrdreg s20  }
0x17: {  	s8 =	simm.s32 $0xB000;
	s22 =	simm.s32 $0x3A00;
	s15 =	simm.s32 $0x1  }
0x18: {  	s23 =	simm.s32 $0x1A00;
	s14 =	simm.s32 $0x2;
	s24 =	simm.s32 $0x3C00  }
0x19: {  	s13 =	simm.s32 $0x3;
	s25 =	simm.s32 $0x1C00;
	[dreg:$0x1b] =	wrdreg s22  }
0x1a: {  	s12 =	simm.s32 $0x4;
	s26 =	simm.s32 $0x3E00;
	[dreg:$0x1c] =	wrdreg s23  }
0x1b: {  	s20 =	simm.s32 $0x4800;
	s19 =	simm.s32 $0x4A00;
	[dreg:$0x1d] =	wrdreg s24  }
0x1c: {  	s18 =	simm.s32 $0x4C00;
	s17 =	simm.s32 $0x4E00;
	[dreg:$0x1e] =	wrdreg s25  }
0x1d: {  	s1 =	sor.u32 s16, s1;
	[dreg:$0x1f] =	wrdreg s26;
	s5 =	sadd.s32 s4, s5  }
0x1e: {  	s22 =	simm.s32 $0x1E00;
	s26 =	simm.s32 $0x4200;
	s5 =	sshrl.u32 s5, $0x3  }
0x1f: {  	s25 =	simm.s32 $0x2200;
	s1 =	smul.u32 $0x500, s1;
	s5 =	sadd.s32 s5, s3  }
0x20: {  	s24 =	simm.s32 $0x4400;
	s21 =	sadd.s32 $0x6E00, s5;
	s5 =	sshrl.u32 s0, $0x1  }
0x21: {  	s23 =	simm.s32 $0x4600;
	s1 =	sadd.s32 s1, s3;
	s0 =	ssub.s32 s0, s5  }
0x22: {  	s4 =	sadd.s32 s4, s2;
	s6 =	sadd.s32 $0x16000, s1;
	s0 =	smax.u32 s0, $0x1  }
0x23: {  	s1 =	sadd.s32 $0x20000, s1;
	[dreg:$0x5] =	wrdreg s6;
	p1 =	sne.s32 s0, $0x1  }
.Ltmp0:
0x24: {  	s4 =	sshrl.u32 s4, $0x3;
	[dreg:$0x6] =	wrdreg s1;
	(pc) =	sbr.rel @!p1 .LBB2_1-.Ltmp0, $4  }
0x25: {  	[dreg:$0x7] =	wrdreg s21;
	s6 =	sadd.s32 $0x1E00, s3;
	s3 =	simm.s32 $0x2C00  }
0x26: {  	s5 =	simm.s32 $0x5;
	s21 =	simm.s32 $0x1800;
	[dreg:$0xd] =	wrdreg s3  }
0x27: {  	s3 =	sor.u32 $0x1C05, s10;
	s10 =	simm.s32 $0x7000;
	[dreg:$0x1a] =	wrdreg s21  }
0x28: {  	s21 =	simm.s32 $0x2600;
	s1 =	sadd.s32 $0xFFFFFFFF, s0;
	s0 =	rddreg [dreg:$0x4]  }
0x29: {  	[spmem:s4], [sflag:s3] =	dma.local [hbm:s0], $0x500  }
0x2a: {  	_ =	swait.ge [sflag:s5], $0x500  }
0x2b: {  	[sflag:s5] =	ssyncset.done $0x0  }
0x2c: {  	s16 =	rddreg [dreg:$0x5];
	[sflag:s5] =	ssyncadd.s32 $0xFFFFFB00  }
0x2d: {  	[tilespmem:s30], [sflag:$0x5] =	stream.linear.gather [hbm4b:s16+s30], $0x2800, $0x38;
	[tilespmem:$0xF800] =	vst v63  }
0x2e: {  	_ =	swait.ge [sflag:s5], $0x2800  }
0x2f: {  	[sflag:s5] =	ssyncset.done $0x0  }
0x30: {  	s16 =	rddreg [dreg:$0x6];
	[sflag:s5] =	ssyncadd.s32 $0xFFFFD800  }
0x31: {  	[tilespmem:s31], [sflag:$0x5] =	stream.linear.gather [hbm4b:s16+s30], $0x2800, $0x38;
	[tilespmem:$0xF800] =	vst v63  }
0x32: {  	_ =	swait.ge [sflag:s5], $0x2800  }
0x33: {  	[sflag:s5] =	ssyncset.done $0x0  }
0x34: {  	[sflag:s5] =	ssyncadd.s32 $0xFFFFD800  }
0x35: {  	[bflag:$0x0] =	sbarrier.arrive $0xFFFF  }
0x36: {  	[tilespmem:s11], [sflag:$0x1] =	stream.indirect.gather [hbm4b:s6+s7], $0x10, s30, s7, $0xb8;
	[tilespmem:$0xF800] =	vst v63  }
0x37: {  	_ = 	snop  }
0x38: {  	[tilespmem:s10], [sflag:$0x2] =	stream.indirect.gather [hbm4b:s6+s7], $0x10, s7, s7, $0xb8;
	[tilespmem:$0xF800] =	vst v63  }
0x39: {  	s0 =	rddreg [dreg:$0x8]  }
0x3a: {  	[tilespmem:s9], [sflag:$0x3] =	stream.indirect.gather [hbm4b:s6+s7], $0x10, s0, s7, $0xb8;
	[tilespmem:$0xF800] =	vst v63  }
0x3b: {  	s16 =	smov.u32 s1;
	s1 =	rddreg [dreg:$0x9]  }
0x3c: {  	[tilespmem:s8], [sflag:$0x4] =	stream.indirect.gather [hbm4b:s6+s7], $0x10, s1, s7, $0xb8;
	[tilespmem:$0xF800] =	vst v63  }
0x3d: {  	_ =	swait.ge [sflag:s15], $0x2000  }
0x3e: {  	[sflag:s15] =	ssyncset.done $0x0  }
0x3f: {  	[sflag:s15] =	ssyncadd.s32 $0xFFFFE000  }
0x40: {  	[spmem:s2] =	stream.indirect.scatter.add.f32 [tilespmem:s11], [sflag:$0x5], $0x10, s31, s7, $0xb8;
	[tilespmem:$0xF800] =	vst v63  }
0x41: {  	_ =	swait.ge [sflag:s5], $0x2000  }
0x42: {  	[sflag:s5] =	ssyncset.done $0x0  }
0x43: {  	s1 =	rddreg [dreg:$0xa];
	[sflag:s5] =	ssyncadd.s32 $0xFFFFE000  }
0x44: {  	[tilespmem:s11], [sflag:$0x1] =	stream.indirect.gather [hbm4b:s6+s7], $0x10, s1, s7, $0xb8;
	[tilespmem:$0xF800] =	vst v63  }
0x45: {  	_ =	swait.ge [sflag:s14], $0x2000  }
0x46: {  	[sflag:s14] =	ssyncset.done $0x0  }
0x47: {  	s1 =	rddreg [dreg:$0xb];
	[sflag:s14] =	ssyncadd.s32 $0xFFFFE000  }
0x48: {  	[spmem:s2] =	stream.indirect.scatter.add.f32 [tilespmem:s10], [sflag:$0x5], $0x10, s1, s7, $0xb8;
	[tilespmem:$0xF800] =	vst v63  }
0x49: {  	_ =	swait.ge [sflag:s5], $0x2000  }
0x4a: {  	[sflag:s5] =	ssyncset.done $0x0  }
0x4b: {  	s1 =	rddreg [dreg:$0xc];
	[sflag:s5] =	ssyncadd.s32 $0xFFFFE000  }
0x4c: {  	[tilespmem:s10], [sflag:$0x2] =	stream.indirect.gather [hbm4b:s6+s7], $0x10, s1, s7, $0xb8;
	[tilespmem:$0xF800] =	vst v63  }
0x4d: {  	_ =	swait.ge [sflag:s13], $0x2000  }
0x4e: {  	[sflag:s13] =	ssyncset.done $0x0  }
0x4f: {  	s1 =	rddreg [dreg:$0xd];
	[sflag:s13] =	ssyncadd.s32 $0xFFFFE000  }
0x50: {  	[spmem:s2] =	stream.indirect.scatter.add.f32 [tilespmem:s9], [sflag:$0x5], $0x10, s1, s7, $0xb8;
	[tilespmem:$0xF800] =	vst v63  }
0x51: {  	_ =	swait.ge [sflag:s5], $0x2000  }
0x52: {  	[sflag:s5] =	ssyncset.done $0x0  }
0x53: {  	s1 =	rddreg [dreg:$0xe];
	[sflag:s5] =	ssyncadd.s32 $0xFFFFE000  }
0x54: {  	[tilespmem:s9], [sflag:$0x3] =	stream.indirect.gather [hbm4b:s6+s7], $0x10, s1, s7, $0xb8;
	[tilespmem:$0xF800] =	vst v63  }
0x55: {  	_ =	swait.ge [sflag:s12], $0x2000  }
0x56: {  	[sflag:s12] =	ssyncset.done $0x0  }
0x57: {  	s1 =	rddreg [dreg:$0xf];
	[sflag:s12] =	ssyncadd.s32 $0xFFFFE000  }
0x58: {  	[spmem:s2] =	stream.indirect.scatter.add.f32 [tilespmem:s8], [sflag:$0x5], $0x10, s1, s7, $0xb8;
	[tilespmem:$0xF800] =	vst v63  }
0x59: {  	_ =	swait.ge [sflag:s5], $0x2000  }
0x5a: {  	[sflag:s5] =	ssyncset.done $0x0  }
0x5b: {  	s1 =	rddreg [dreg:$0x10];
	[sflag:s5] =	ssyncadd.s32 $0xFFFFE000  }
0x5c: {  	[tilespmem:s8], [sflag:$0x4] =	stream.indirect.gather [hbm4b:s6+s7], $0x10, s1, s7, $0xb8;
	[tilespmem:$0xF800] =	vst v63  }
0x5d: {  	_ =	swait.ge [sflag:s15], $0x2000  }
0x5e: {  	[sflag:s15] =	ssyncset.done $0x0  }
0x5f: {  	s1 =	rddreg [dreg:$0x11];
	[sflag:s15] =	ssyncadd.s32 $0xFFFFE000  }
0x60: {  	[spmem:s2] =	stream.indirect.scatter.add.f32 [tilespmem:s11], [sflag:$0x5], $0x10, s1, s7, $0xb8;
	[tilespmem:$0xF800] =	vst v63  }
0x61: {  	_ =	swait.ge [sflag:s5], $0x2000  }
0x62: {  	[sflag:s5] =	ssyncset.done $0x0  }
0x63: {  	s1 =	rddreg [dreg:$0x12];
	[sflag:s5] =	ssyncadd.s32 $0xFFFFE000  }
0x64: {  	[tilespmem:s11], [sflag:$0x1] =	stream.indirect.gather [hbm4b:s6+s7], $0x10, s1, s7, $0xb8;
	[tilespmem:$0xF800] =	vst v63  }
0x65: {  	_ =	swait.ge [sflag:s14], $0x2000  }
0x66: {  	[sflag:s14] =	ssyncset.done $0x0  }
0x67: {  	s1 =	rddreg [dreg:$0x13];
	[sflag:s14] =	ssyncadd.s32 $0xFFFFE000  }
0x68: {  	[spmem:s2] =	stream.indirect.scatter.add.f32 [tilespmem:s10], [sflag:$0x5], $0x10, s1, s7, $0xb8;
	[tilespmem:$0xF800] =	vst v63  }
0x69: {  	_ =	swait.ge [sflag:s5], $0x2000  }
0x6a: {  	[sflag:s5] =	ssyncset.done $0x0  }
0x6b: {  	s1 =	rddreg [dreg:$0x14];
	[sflag:s5] =	ssyncadd.s32 $0xFFFFE000  }
0x6c: {  	[tilespmem:s10], [sflag:$0x2] =	stream.indirect.gather [hbm4b:s6+s7], $0x10, s1, s7, $0xb8;
	[tilespmem:$0xF800] =	vst v63  }
0x6d: {  	_ =	swait.ge [sflag:s13], $0x2000  }
0x6e: {  	[sflag:s13] =	ssyncset.done $0x0  }
0x6f: {  	s1 =	rddreg [dreg:$0x15];
	[sflag:s13] =	ssyncadd.s32 $0xFFFFE000  }
0x70: {  	[spmem:s2] =	stream.indirect.scatter.add.f32 [tilespmem:s9], [sflag:$0x5], $0x10, s1, s7, $0xb8;
	[tilespmem:$0xF800] =	vst v63  }
0x71: {  	_ =	swait.ge [sflag:s5], $0x2000  }
0x72: {  	[sflag:s5] =	ssyncset.done $0x0  }
0x73: {  	s1 =	rddreg [dreg:$0x16];
	[sflag:s5] =	ssyncadd.s32 $0xFFFFE000  }
0x74: {  	[tilespmem:s9], [sflag:$0x3] =	stream.indirect.gather [hbm4b:s6+s7], $0x10, s1, s7, $0xb8;
	[tilespmem:$0xF800] =	vst v63  }
0x75: {  	_ =	swait.ge [sflag:s12], $0x2000  }
0x76: {  	[sflag:s12] =	ssyncset.done $0x0  }
0x77: {  	s1 =	rddreg [dreg:$0x17];
	[sflag:s12] =	ssyncadd.s32 $0xFFFFE000  }
0x78: {  	[spmem:s2] =	stream.indirect.scatter.add.f32 [tilespmem:s8], [sflag:$0x5], $0x10, s1, s7, $0xb8;
	[tilespmem:$0xF800] =	vst v63  }
0x79: {  	_ =	swait.ge [sflag:s5], $0x2000  }
0x7a: {  	[sflag:s5] =	ssyncset.done $0x0  }
0x7b: {  	s1 =	rddreg [dreg:$0x18];
	[sflag:s5] =	ssyncadd.s32 $0xFFFFE000  }
0x7c: {  	[tilespmem:s8], [sflag:$0x4] =	stream.indirect.gather [hbm4b:s6+s7], $0x10, s1, s7, $0xb8;
	[tilespmem:$0xF800] =	vst v63  }
0x7d: {  	_ =	swait.ge [sflag:s15], $0x2000  }
0x7e: {  	[sflag:s15] =	ssyncset.done $0x0  }
0x7f: {  	s1 =	rddreg [dreg:$0x19];
	[sflag:s15] =	ssyncadd.s32 $0xFFFFE000  }
0x80: {  	[spmem:s2] =	stream.indirect.scatter.add.f32 [tilespmem:s11], [sflag:$0x5], $0x10, s1, s7, $0xb8;
	[tilespmem:$0xF800] =	vst v63  }
0x81: {  	_ =	swait.ge [sflag:s5], $0x2000  }
0x82: {  	[sflag:s5] =	ssyncset.done $0x0  }
0x83: {  	s1 =	rddreg [dreg:$0x1a];
	[sflag:s5] =	ssyncadd.s32 $0xFFFFE000  }
0x84: {  	[tilespmem:s11], [sflag:$0x1] =	stream.indirect.gather [hbm4b:s6+s7], $0x10, s1, s7, $0xb8;
	[tilespmem:$0xF800] =	vst v63  }
0x85: {  	_ =	swait.ge [sflag:s14], $0x2000  }
0x86: {  	[sflag:s14] =	ssyncset.done $0x0  }
0x87: {  	s1 =	rddreg [dreg:$0x1b];
	[sflag:s14] =	ssyncadd.s32 $0xFFFFE000  }
0x88: {  	[spmem:s2] =	stream.indirect.scatter.add.f32 [tilespmem:s10], [sflag:$0x5], $0x10, s1, s7, $0xb8;
	[tilespmem:$0xF800] =	vst v63  }
0x89: {  	_ =	swait.ge [sflag:s5], $0x2000  }
0x8a: {  	[sflag:s5] =	ssyncset.done $0x0  }
0x8b: {  	s1 =	rddreg [dreg:$0x1c];
	[sflag:s5] =	ssyncadd.s32 $0xFFFFE000  }
0x8c: {  	[tilespmem:s10], [sflag:$0x2] =	stream.indirect.gather [hbm4b:s6+s7], $0x10, s1, s7, $0xb8;
	[tilespmem:$0xF800] =	vst v63  }
0x8d: {  	_ =	swait.ge [sflag:s13], $0x2000  }
0x8e: {  	[sflag:s13] =	ssyncset.done $0x0  }
0x8f: {  	s1 =	rddreg [dreg:$0x1d];
	[sflag:s13] =	ssyncadd.s32 $0xFFFFE000  }
0x90: {  	[spmem:s2] =	stream.indirect.scatter.add.f32 [tilespmem:s9], [sflag:$0x5], $0x10, s1, s7, $0xb8;
	[tilespmem:$0xF800] =	vst v63  }
0x91: {  	_ =	swait.ge [sflag:s5], $0x2000  }
0x92: {  	[sflag:s5] =	ssyncset.done $0x0  }
0x93: {  	s1 =	rddreg [dreg:$0x1e];
	[sflag:s5] =	ssyncadd.s32 $0xFFFFE000  }
0x94: {  	[tilespmem:s9], [sflag:$0x3] =	stream.indirect.gather [hbm4b:s6+s7], $0x10, s1, s7, $0xb8;
	[tilespmem:$0xF800] =	vst v63  }
0x95: {  	_ =	swait.ge [sflag:s12], $0x2000  }
0x96: {  	[sflag:s12] =	ssyncset.done $0x0  }
0x97: {  	s1 =	rddreg [dreg:$0x1f];
	[sflag:s12] =	ssyncadd.s32 $0xFFFFE000  }
0x98: {  	[spmem:s2] =	stream.indirect.scatter.add.f32 [tilespmem:s8], [sflag:$0x5], $0x10, s1, s7, $0xb8;
	[tilespmem:$0xF800] =	vst v63  }
0x99: {  	_ =	swait.ge [sflag:s5], $0x2000  }
0x9a: {  	[sflag:s5] =	ssyncset.done $0x0  }
0x9b: {  	[sflag:s5] =	ssyncadd.s32 $0xFFFFE000  }
0x9c: {  	[tilespmem:s8], [sflag:$0x4] =	stream.indirect.gather [hbm4b:s6+s7], $0x10, s22, s7, $0xb8;
	[tilespmem:$0xF800] =	vst v63  }
0x9d: {  	_ =	swait.ge [sflag:s15], $0x2000  }
0x9e: {  	[sflag:s15] =	ssyncset.done $0x0  }
0x9f: {  	[sflag:s15] =	ssyncadd.s32 $0xFFFFE000  }
0xa0: {  	[spmem:s2] =	stream.indirect.scatter.add.f32 [tilespmem:s11], [sflag:$0x5], $0x10, s29, s7, $0xb8;
	[tilespmem:$0xF800] =	vst v63  }
0xa1: {  	_ =	swait.ge [sflag:s5], $0x2000  }
0xa2: {  	[sflag:s5] =	ssyncset.done $0x0  }
0xa3: {  	[sflag:s5] =	ssyncadd.s32 $0xFFFFE000  }
0xa4: {  	[tilespmem:s11], [sflag:$0x1] =	stream.indirect.gather [hbm4b:s6+s7], $0x10, s28, s7, $0xb8;
	[tilespmem:$0xF800] =	vst v63  }
0xa5: {  	_ =	swait.ge [sflag:s14], $0x2000  }
0xa6: {  	[sflag:s14] =	ssyncset.done $0x0  }
0xa7: {  	[sflag:s14] =	ssyncadd.s32 $0xFFFFE000  }
0xa8: {  	[spmem:s2] =	stream.indirect.scatter.add.f32 [tilespmem:s10], [sflag:$0x5], $0x10, s26, s7, $0xb8;
	[tilespmem:$0xF800] =	vst v63  }
0xa9: {  	_ =	swait.ge [sflag:s5], $0x2000  }
0xaa: {  	[sflag:s5] =	ssyncset.done $0x0  }
0xab: {  	[sflag:s5] =	ssyncadd.s32 $0xFFFFE000  }
0xac: {  	[tilespmem:s10], [sflag:$0x2] =	stream.indirect.gather [hbm4b:s6+s7], $0x10, s25, s7, $0xb8;
	[tilespmem:$0xF800] =	vst v63  }
0xad: {  	_ =	swait.ge [sflag:s13], $0x2000  }
0xae: {  	[sflag:s13] =	ssyncset.done $0x0  }
0xaf: {  	[sflag:s13] =	ssyncadd.s32 $0xFFFFE000  }
0xb0: {  	[spmem:s2] =	stream.indirect.scatter.add.f32 [tilespmem:s9], [sflag:$0x5], $0x10, s24, s7, $0xb8;
	[tilespmem:$0xF800] =	vst v63  }
0xb1: {  	_ =	swait.ge [sflag:s5], $0x2000  }
0xb2: {  	[sflag:s5] =	ssyncset.done $0x0  }
0xb3: {  	s1 =	simm.s32 $0x2400;
	[sflag:s5] =	ssyncadd.s32 $0xFFFFE000  }
0xb4: {  	[tilespmem:s9], [sflag:$0x3] =	stream.indirect.gather [hbm4b:s6+s7], $0x10, s1, s7, $0xb8;
	[tilespmem:$0xF800] =	vst v63  }
0xb5: {  	_ =	swait.ge [sflag:s12], $0x2000  }
0xb6: {  	[sflag:s12] =	ssyncset.done $0x0  }
0xb7: {  	[sflag:s12] =	ssyncadd.s32 $0xFFFFE000  }
0xb8: {  	[spmem:s2] =	stream.indirect.scatter.add.f32 [tilespmem:s8], [sflag:$0x5], $0x10, s23, s7, $0xb8;
	[tilespmem:$0xF800] =	vst v63  }
0xb9: {  	_ =	swait.ge [sflag:s5], $0x2000  }
0xba: {  	[sflag:s5] =	ssyncset.done $0x0  }
0xbb: {  	[sflag:s5] =	ssyncadd.s32 $0xFFFFE000  }
0xbc: {  	[tilespmem:s8], [sflag:$0x4] =	stream.indirect.gather [hbm4b:s6+s7], $0x10, s21, s7, $0xb8;
	[tilespmem:$0xF800] =	vst v63  }
0xbd: {  	_ =	swait.ge [sflag:s15], $0x2000  }
0xbe: {  	[sflag:s15] =	ssyncset.done $0x0  }
0xbf: {  	[sflag:s15] =	ssyncadd.s32 $0xFFFFE000  }
0xc0: {  	[spmem:s2] =	stream.indirect.scatter.add.f32 [tilespmem:s11], [sflag:$0x5], $0x10, s20, s7, $0xb8;
	[tilespmem:$0xF800] =	vst v63  }
0xc1: {  	_ =	swait.ge [sflag:s5], $0x2000  }
0xc2: {  	[sflag:s5] =	ssyncset.done $0x0  }
0xc3: {  	[sflag:s5] =	ssyncadd.s32 $0xFFFFE000  }
0xc4: {  	_ =	swait.ge [sflag:s14], $0x2000  }
0xc5: {  	[sflag:s14] =	ssyncset.done $0x0  }
0xc6: {  	[sflag:s14] =	ssyncadd.s32 $0xFFFFE000  }
0xc7: {  	[spmem:s2] =	stream.indirect.scatter.add.f32 [tilespmem:s10], [sflag:$0x5], $0x10, s19, s7, $0xb8;
	[tilespmem:$0xF800] =	vst v63  }
0xc8: {  	_ =	swait.ge [sflag:s5], $0x2000  }
0xc9: {  	[sflag:s5] =	ssyncset.done $0x0  }
0xca: {  	[sflag:s5] =	ssyncadd.s32 $0xFFFFE000  }
0xcb: {  	_ =	swait.ge [sflag:s13], $0x2000  }
0xcc: {  	[sflag:s13] =	ssyncset.done $0x0  }
0xcd: {  	[sflag:s13] =	ssyncadd.s32 $0xFFFFE000  }
0xce: {  	[spmem:s2] =	stream.indirect.scatter.add.f32 [tilespmem:s9], [sflag:$0x5], $0x10, s18, s7, $0xb8;
	[tilespmem:$0xF800] =	vst v63  }
0xcf: {  	_ =	swait.ge [sflag:s5], $0x2000  }
0xd0: {  	[sflag:s5] =	ssyncset.done $0x0  }
0xd1: {  	[sflag:s5] =	ssyncadd.s32 $0xFFFFE000  }
0xd2: {  	_ =	swait.ge [sflag:s12], $0x2000  }
0xd3: {  	[sflag:s12] =	ssyncset.done $0x0  }
0xd4: {  	[sflag:s12] =	ssyncadd.s32 $0xFFFFE000  }
0xd5: {  	[spmem:s2] =	stream.indirect.scatter.add.f32 [tilespmem:s8], [sflag:$0x5], $0x10, s17, s7, $0xb8;
	[tilespmem:$0xF800] =	vst v63  }
0xd6: {  	_ =	swait.ge [sflag:s5], $0x2000  }
0xd7: {  	[sflag:s5] =	ssyncset.done $0x0  }
0xd8: {  	p1 =	sne.s32 s16, $0x1;
	[sflag:s5] =	ssyncadd.s32 $0xFFFFE000  }
.Ltmp1:
0xd9: {  	[bflag:$0x0] =	sbarrier.arrive $0xFFFF;
	(pc) =	sbr.rel @!p1 .LBB2_3-.Ltmp1, $4  }
0xda: {  	s1 =	rddreg [dreg:$0x7]  }
0xdb: {  	[hbm:s1], [sflag:s3] =	dma.local [spmem:s4], $0x500  }
0xdc: {  	p0 =	por $0x1, $0x1;
	_ =	swait.ge [sflag:s5], $0x500  }
0xdd: {  	s1 =	sadd.s32 $0xFFFFFFFF, s16;
	s0 =	rddreg [dreg:$0x4];
	[sflag:s5] =	ssyncset.done $0x0  }
.LBB2_4:
0xde: {  	[sflag:s5] =	ssyncadd.s32 $0xFFFFFB00  }
0xdf: {  	[spmem:s4], [sflag:s3] =	dma.local [hbm:s0], $0x500  }
0xe0: {  	_ =	swait.ge [sflag:s5], $0x500  }
0xe1: {  	[sflag:s5] =	ssyncset.done $0x0  }
0xe2: {  	s16 =	rddreg [dreg:$0x5];
	[sflag:s5] =	ssyncadd.s32 $0xFFFFFB00  }
0xe3: {  	[tilespmem:s30], [sflag:$0x5] =	stream.linear.gather [hbm4b:s16+s30], $0x2800, $0x38;
	[tilespmem:$0xF800] =	vst v63  }
0xe4: {  	_ =	swait.ge [sflag:s5], $0x2800  }
0xe5: {  	[sflag:s5] =	ssyncset.done $0x0  }
0xe6: {  	s16 =	rddreg [dreg:$0x6];
	[sflag:s5] =	ssyncadd.s32 $0xFFFFD800  }
0xe7: {  	[tilespmem:s31], [sflag:$0x5] =	stream.linear.gather [hbm4b:s16+s30], $0x2800, $0x38;
	[tilespmem:$0xF800] =	vst v63  }
0xe8: {  	_ =	swait.ge [sflag:s5], $0x2800  }
0xe9: {  	[sflag:s5] =	ssyncset.done $0x0  }
0xea: {  	[sflag:s5] =	ssyncadd.s32 $0xFFFFD800  }
0xeb: {  	[bflag:$0x0] =	sbarrier.arrive $0xFFFF  }
0xec: {  	[tilespmem:s11], [sflag:$0x1] =	stream.indirect.gather [hbm4b:s6+s7], $0x10, s30, s7, $0xb8;
	[tilespmem:$0xF800] =	vst v63  }
0xed: {  	_ = 	snop  }
0xee: {  	[tilespmem:s10], [sflag:$0x2] =	stream.indirect.gather [hbm4b:s6+s7], $0x10, s7, s7, $0xb8;
	[tilespmem:$0xF800] =	vst v63  }
0xef: {  	s0 =	rddreg [dreg:$0x8]  }
0xf0: {  	[tilespmem:s9], [sflag:$0x3] =	stream.indirect.gather [hbm4b:s6+s7], $0x10, s0, s7, $0xb8;
	[tilespmem:$0xF800] =	vst v63  }
0xf1: {  	s16 =	rddreg [dreg:$0x9]  }
0xf2: {  	[tilespmem:s8], [sflag:$0x4] =	stream.indirect.gather [hbm4b:s6+s7], $0x10, s16, s7, $0xb8;
	[tilespmem:$0xF800] =	vst v63  }
0xf3: {  	_ =	swait.ge [sflag:s15], $0x2000  }
0xf4: {  	[sflag:s15] =	ssyncset.done $0x0  }
0xf5: {  	[sflag:s15] =	ssyncadd.s32 $0xFFFFE000  }
0xf6: {  	[spmem:s2] =	stream.indirect.scatter.add.f32 [tilespmem:s11], [sflag:$0x5], $0x10, s31, s7, $0xb8;
	[tilespmem:$0xF800] =	vst v63  }
0xf7: {  	_ =	swait.ge [sflag:s5], $0x2000  }
0xf8: {  	[sflag:s5] =	ssyncset.done $0x0  }
0xf9: {  	s16 =	rddreg [dreg:$0xa];
	[sflag:s5] =	ssyncadd.s32 $0xFFFFE000  }
0xfa: {  	[tilespmem:s11], [sflag:$0x1] =	stream.indirect.gather [hbm4b:s6+s7], $0x10, s16, s7, $0xb8;
	[tilespmem:$0xF800] =	vst v63  }
0xfb: {  	_ =	swait.ge [sflag:s14], $0x2000  }
0xfc: {  	[sflag:s14] =	ssyncset.done $0x0  }
0xfd: {  	s16 =	rddreg [dreg:$0xb];
	[sflag:s14] =	ssyncadd.s32 $0xFFFFE000  }
0xfe: {  	[spmem:s2] =	stream.indirect.scatter.add.f32 [tilespmem:s10], [sflag:$0x5], $0x10, s16, s7, $0xb8;
	[tilespmem:$0xF800] =	vst v63  }
0xff: {  	_ =	swait.ge [sflag:s5], $0x2000  }
0x100: {  	[sflag:s5] =	ssyncset.done $0x0  }
0x101: {  	s16 =	rddreg [dreg:$0xc];
	[sflag:s5] =	ssyncadd.s32 $0xFFFFE000  }
0x102: {  	[tilespmem:s10], [sflag:$0x2] =	stream.indirect.gather [hbm4b:s6+s7], $0x10, s16, s7, $0xb8;
	[tilespmem:$0xF800] =	vst v63  }
0x103: {  	_ =	swait.ge [sflag:s13], $0x2000  }
0x104: {  	[sflag:s13] =	ssyncset.done $0x0  }
0x105: {  	s16 =	rddreg [dreg:$0xd];
	[sflag:s13] =	ssyncadd.s32 $0xFFFFE000  }
0x106: {  	[spmem:s2] =	stream.indirect.scatter.add.f32 [tilespmem:s9], [sflag:$0x5], $0x10, s16, s7, $0xb8;
	[tilespmem:$0xF800] =	vst v63  }
0x107: {  	_ =	swait.ge [sflag:s5], $0x2000  }
0x108: {  	[sflag:s5] =	ssyncset.done $0x0  }
0x109: {  	s16 =	rddreg [dreg:$0xe];
	[sflag:s5] =	ssyncadd.s32 $0xFFFFE000  }
0x10a: {  	[tilespmem:s9], [sflag:$0x3] =	stream.indirect.gather [hbm4b:s6+s7], $0x10, s16, s7, $0xb8;
	[tilespmem:$0xF800] =	vst v63  }
0x10b: {  	_ =	swait.ge [sflag:s12], $0x2000  }
0x10c: {  	[sflag:s12] =	ssyncset.done $0x0  }
0x10d: {  	s16 =	rddreg [dreg:$0xf];
	[sflag:s12] =	ssyncadd.s32 $0xFFFFE000  }
0x10e: {  	[spmem:s2] =	stream.indirect.scatter.add.f32 [tilespmem:s8], [sflag:$0x5], $0x10, s16, s7, $0xb8;
	[tilespmem:$0xF800] =	vst v63  }
0x10f: {  	_ =	swait.ge [sflag:s5], $0x2000  }
0x110: {  	[sflag:s5] =	ssyncset.done $0x0  }
0x111: {  	s16 =	rddreg [dreg:$0x10];
	[sflag:s5] =	ssyncadd.s32 $0xFFFFE000  }
0x112: {  	[tilespmem:s8], [sflag:$0x4] =	stream.indirect.gather [hbm4b:s6+s7], $0x10, s16, s7, $0xb8;
	[tilespmem:$0xF800] =	vst v63  }
0x113: {  	_ =	swait.ge [sflag:s15], $0x2000  }
0x114: {  	[sflag:s15] =	ssyncset.done $0x0  }
0x115: {  	s16 =	rddreg [dreg:$0x11];
	[sflag:s15] =	ssyncadd.s32 $0xFFFFE000  }
0x116: {  	[spmem:s2] =	stream.indirect.scatter.add.f32 [tilespmem:s11], [sflag:$0x5], $0x10, s16, s7, $0xb8;
	[tilespmem:$0xF800] =	vst v63  }
0x117: {  	_ =	swait.ge [sflag:s5], $0x2000  }
0x118: {  	[sflag:s5] =	ssyncset.done $0x0  }
0x119: {  	s16 =	rddreg [dreg:$0x12];
	[sflag:s5] =	ssyncadd.s32 $0xFFFFE000  }
0x11a: {  	[tilespmem:s11], [sflag:$0x1] =	stream.indirect.gather [hbm4b:s6+s7], $0x10, s16, s7, $0xb8;
	[tilespmem:$0xF800] =	vst v63  }
0x11b: {  	_ =	swait.ge [sflag:s14], $0x2000  }
0x11c: {  	[sflag:s14] =	ssyncset.done $0x0  }
0x11d: {  	s16 =	rddreg [dreg:$0x13];
	[sflag:s14] =	ssyncadd.s32 $0xFFFFE000  }
0x11e: {  	[spmem:s2] =	stream.indirect.scatter.add.f32 [tilespmem:s10], [sflag:$0x5], $0x10, s16, s7, $0xb8;
	[tilespmem:$0xF800] =	vst v63  }
0x11f: {  	_ =	swait.ge [sflag:s5], $0x2000  }
0x120: {  	[sflag:s5] =	ssyncset.done $0x0  }
0x121: {  	s16 =	rddreg [dreg:$0x14];
	[sflag:s5] =	ssyncadd.s32 $0xFFFFE000  }
0x122: {  	[tilespmem:s10], [sflag:$0x2] =	stream.indirect.gather [hbm4b:s6+s7], $0x10, s16, s7, $0xb8;
	[tilespmem:$0xF800] =	vst v63  }
0x123: {  	_ =	swait.ge [sflag:s13], $0x2000  }
0x124: {  	[sflag:s13] =	ssyncset.done $0x0  }
0x125: {  	s16 =	rddreg [dreg:$0x15];
	[sflag:s13] =	ssyncadd.s32 $0xFFFFE000  }
0x126: {  	[spmem:s2] =	stream.indirect.scatter.add.f32 [tilespmem:s9], [sflag:$0x5], $0x10, s16, s7, $0xb8;
	[tilespmem:$0xF800] =	vst v63  }
0x127: {  	_ =	swait.ge [sflag:s5], $0x2000  }
0x128: {  	[sflag:s5] =	ssyncset.done $0x0  }
0x129: {  	s16 =	rddreg [dreg:$0x16];
	[sflag:s5] =	ssyncadd.s32 $0xFFFFE000  }
0x12a: {  	[tilespmem:s9], [sflag:$0x3] =	stream.indirect.gather [hbm4b:s6+s7], $0x10, s16, s7, $0xb8;
	[tilespmem:$0xF800] =	vst v63  }
0x12b: {  	_ =	swait.ge [sflag:s12], $0x2000  }
0x12c: {  	[sflag:s12] =	ssyncset.done $0x0  }
0x12d: {  	s16 =	rddreg [dreg:$0x17];
	[sflag:s12] =	ssyncadd.s32 $0xFFFFE000  }
0x12e: {  	[spmem:s2] =	stream.indirect.scatter.add.f32 [tilespmem:s8], [sflag:$0x5], $0x10, s16, s7, $0xb8;
	[tilespmem:$0xF800] =	vst v63  }
0x12f: {  	_ =	swait.ge [sflag:s5], $0x2000  }
0x130: {  	[sflag:s5] =	ssyncset.done $0x0  }
0x131: {  	s16 =	rddreg [dreg:$0x18];
	[sflag:s5] =	ssyncadd.s32 $0xFFFFE000  }
0x132: {  	[tilespmem:s8], [sflag:$0x4] =	stream.indirect.gather [hbm4b:s6+s7], $0x10, s16, s7, $0xb8;
	[tilespmem:$0xF800] =	vst v63  }
0x133: {  	_ =	swait.ge [sflag:s15], $0x2000  }
0x134: {  	[sflag:s15] =	ssyncset.done $0x0  }
0x135: {  	s16 =	rddreg [dreg:$0x19];
	[sflag:s15] =	ssyncadd.s32 $0xFFFFE000  }
0x136: {  	[spmem:s2] =	stream.indirect.scatter.add.f32 [tilespmem:s11], [sflag:$0x5], $0x10, s16, s7, $0xb8;
	[tilespmem:$0xF800] =	vst v63  }
0x137: {  	_ =	swait.ge [sflag:s5], $0x2000  }
0x138: {  	[sflag:s5] =	ssyncset.done $0x0  }
0x139: {  	s16 =	rddreg [dreg:$0x1a];
	[sflag:s5] =	ssyncadd.s32 $0xFFFFE000  }
0x13a: {  	[tilespmem:s11], [sflag:$0x1] =	stream.indirect.gather [hbm4b:s6+s7], $0x10, s16, s7, $0xb8;
	[tilespmem:$0xF800] =	vst v63  }
0x13b: {  	_ =	swait.ge [sflag:s14], $0x2000  }
0x13c: {  	[sflag:s14] =	ssyncset.done $0x0  }
0x13d: {  	s16 =	rddreg [dreg:$0x1b];
	[sflag:s14] =	ssyncadd.s32 $0xFFFFE000  }
0x13e: {  	[spmem:s2] =	stream.indirect.scatter.add.f32 [tilespmem:s10], [sflag:$0x5], $0x10, s16, s7, $0xb8;
	[tilespmem:$0xF800] =	vst v63  }
0x13f: {  	_ =	swait.ge [sflag:s5], $0x2000  }
0x140: {  	[sflag:s5] =	ssyncset.done $0x0  }
0x141: {  	s16 =	rddreg [dreg:$0x1c];
	[sflag:s5] =	ssyncadd.s32 $0xFFFFE000  }
0x142: {  	[tilespmem:s10], [sflag:$0x2] =	stream.indirect.gather [hbm4b:s6+s7], $0x10, s16, s7, $0xb8;
	[tilespmem:$0xF800] =	vst v63  }
0x143: {  	_ =	swait.ge [sflag:s13], $0x2000  }
0x144: {  	[sflag:s13] =	ssyncset.done $0x0  }
0x145: {  	s16 =	rddreg [dreg:$0x1d];
	[sflag:s13] =	ssyncadd.s32 $0xFFFFE000  }
0x146: {  	[spmem:s2] =	stream.indirect.scatter.add.f32 [tilespmem:s9], [sflag:$0x5], $0x10, s16, s7, $0xb8;
	[tilespmem:$0xF800] =	vst v63  }
0x147: {  	_ =	swait.ge [sflag:s5], $0x2000  }
0x148: {  	[sflag:s5] =	ssyncset.done $0x0  }
0x149: {  	s16 =	rddreg [dreg:$0x1e];
	[sflag:s5] =	ssyncadd.s32 $0xFFFFE000  }
0x14a: {  	[tilespmem:s9], [sflag:$0x3] =	stream.indirect.gather [hbm4b:s6+s7], $0x10, s16, s7, $0xb8;
	[tilespmem:$0xF800] =	vst v63  }
0x14b: {  	_ =	swait.ge [sflag:s12], $0x2000  }
0x14c: {  	[sflag:s12] =	ssyncset.done $0x0  }
0x14d: {  	s16 =	rddreg [dreg:$0x1f];
	[sflag:s12] =	ssyncadd.s32 $0xFFFFE000  }
0x14e: {  	[spmem:s2] =	stream.indirect.scatter.add.f32 [tilespmem:s8], [sflag:$0x5], $0x10, s16, s7, $0xb8;
	[tilespmem:$0xF800] =	vst v63  }
0x14f: {  	_ =	swait.ge [sflag:s5], $0x2000  }
0x150: {  	[sflag:s5] =	ssyncset.done $0x0  }
0x151: {  	[sflag:s5] =	ssyncadd.s32 $0xFFFFE000  }
0x152: {  	[tilespmem:s8], [sflag:$0x4] =	stream.indirect.gather [hbm4b:s6+s7], $0x10, s22, s7, $0xb8;
	[tilespmem:$0xF800] =	vst v63  }
0x153: {  	_ =	swait.ge [sflag:s15], $0x2000  }
0x154: {  	[sflag:s15] =	ssyncset.done $0x0  }
0x155: {  	[sflag:s15] =	ssyncadd.s32 $0xFFFFE000  }
0x156: {  	[spmem:s2] =	stream.indirect.scatter.add.f32 [tilespmem:s11], [sflag:$0x5], $0x10, s29, s7, $0xb8;
	[tilespmem:$0xF800] =	vst v63  }
0x157: {  	_ =	swait.ge [sflag:s5], $0x2000  }
0x158: {  	[sflag:s5] =	ssyncset.done $0x0  }
0x159: {  	[sflag:s5] =	ssyncadd.s32 $0xFFFFE000  }
0x15a: {  	[tilespmem:s11], [sflag:$0x1] =	stream.indirect.gather [hbm4b:s6+s7], $0x10, s28, s7, $0xb8;
	[tilespmem:$0xF800] =	vst v63  }
0x15b: {  	_ =	swait.ge [sflag:s14], $0x2000  }
0x15c: {  	[sflag:s14] =	ssyncset.done $0x0  }
0x15d: {  	[sflag:s14] =	ssyncadd.s32 $0xFFFFE000  }
0x15e: {  	[spmem:s2] =	stream.indirect.scatter.add.f32 [tilespmem:s10], [sflag:$0x5], $0x10, s26, s7, $0xb8;
	[tilespmem:$0xF800] =	vst v63  }
0x15f: {  	_ =	swait.ge [sflag:s5], $0x2000  }
0x160: {  	[sflag:s5] =	ssyncset.done $0x0  }
0x161: {  	[sflag:s5] =	ssyncadd.s32 $0xFFFFE000  }
0x162: {  	[tilespmem:s10], [sflag:$0x2] =	stream.indirect.gather [hbm4b:s6+s7], $0x10, s25, s7, $0xb8;
	[tilespmem:$0xF800] =	vst v63  }
0x163: {  	_ =	swait.ge [sflag:s13], $0x2000  }
0x164: {  	[sflag:s13] =	ssyncset.done $0x0  }
0x165: {  	[sflag:s13] =	ssyncadd.s32 $0xFFFFE000  }
0x166: {  	[spmem:s2] =	stream.indirect.scatter.add.f32 [tilespmem:s9], [sflag:$0x5], $0x10, s24, s7, $0xb8;
	[tilespmem:$0xF800] =	vst v63  }
0x167: {  	_ =	swait.ge [sflag:s5], $0x2000  }
0x168: {  	[sflag:s5] =	ssyncset.done $0x0  }
0x169: {  	s16 =	simm.s32 $0x2400;
	[sflag:s5] =	ssyncadd.s32 $0xFFFFE000  }
0x16a: {  	[tilespmem:s9], [sflag:$0x3] =	stream.indirect.gather [hbm4b:s6+s7], $0x10, s16, s7, $0xb8;
	[tilespmem:$0xF800] =	vst v63  }
0x16b: {  	_ =	swait.ge [sflag:s12], $0x2000  }
0x16c: {  	[sflag:s12] =	ssyncset.done $0x0  }
0x16d: {  	[sflag:s12] =	ssyncadd.s32 $0xFFFFE000  }
0x16e: {  	[spmem:s2] =	stream.indirect.scatter.add.f32 [tilespmem:s8], [sflag:$0x5], $0x10, s23, s7, $0xb8;
	[tilespmem:$0xF800] =	vst v63  }
0x16f: {  	_ =	swait.ge [sflag:s5], $0x2000  }
0x170: {  	[sflag:s5] =	ssyncset.done $0x0  }
0x171: {  	[sflag:s5] =	ssyncadd.s32 $0xFFFFE000  }
0x172: {  	[tilespmem:s8], [sflag:$0x4] =	stream.indirect.gather [hbm4b:s6+s7], $0x10, s21, s7, $0xb8;
	[tilespmem:$0xF800] =	vst v63  }
0x173: {  	_ =	swait.ge [sflag:s15], $0x2000  }
0x174: {  	[sflag:s15] =	ssyncset.done $0x0  }
0x175: {  	[sflag:s15] =	ssyncadd.s32 $0xFFFFE000  }
0x176: {  	[spmem:s2] =	stream.indirect.scatter.add.f32 [tilespmem:s11], [sflag:$0x5], $0x10, s20, s7, $0xb8;
	[tilespmem:$0xF800] =	vst v63  }
0x177: {  	_ =	swait.ge [sflag:s5], $0x2000  }
0x178: {  	[sflag:s5] =	ssyncset.done $0x0  }
0x179: {  	[sflag:s5] =	ssyncadd.s32 $0xFFFFE000  }
0x17a: {  	_ =	swait.ge [sflag:s14], $0x2000  }
0x17b: {  	[sflag:s14] =	ssyncset.done $0x0  }
0x17c: {  	[sflag:s14] =	ssyncadd.s32 $0xFFFFE000  }
0x17d: {  	[spmem:s2] =	stream.indirect.scatter.add.f32 [tilespmem:s10], [sflag:$0x5], $0x10, s19, s7, $0xb8;
	[tilespmem:$0xF800] =	vst v63  }
0x17e: {  	_ =	swait.ge [sflag:s5], $0x2000  }
0x17f: {  	[sflag:s5] =	ssyncset.done $0x0  }
0x180: {  	[sflag:s5] =	ssyncadd.s32 $0xFFFFE000  }
0x181: {  	_ =	swait.ge [sflag:s13], $0x2000  }
0x182: {  	[sflag:s13] =	ssyncset.done $0x0  }
0x183: {  	[sflag:s13] =	ssyncadd.s32 $0xFFFFE000  }
0x184: {  	[spmem:s2] =	stream.indirect.scatter.add.f32 [tilespmem:s9], [sflag:$0x5], $0x10, s18, s7, $0xb8;
	[tilespmem:$0xF800] =	vst v63  }
0x185: {  	_ =	swait.ge [sflag:s5], $0x2000  }
0x186: {  	[sflag:s5] =	ssyncset.done $0x0  }
0x187: {  	[sflag:s5] =	ssyncadd.s32 $0xFFFFE000  }
0x188: {  	_ =	swait.ge [sflag:s12], $0x2000  }
0x189: {  	[sflag:s12] =	ssyncset.done $0x0  }
0x18a: {  	[sflag:s12] =	ssyncadd.s32 $0xFFFFE000  }
0x18b: {  	[spmem:s2] =	stream.indirect.scatter.add.f32 [tilespmem:s8], [sflag:$0x5], $0x10, s17, s7, $0xb8;
	[tilespmem:$0xF800] =	vst v63  }
0x18c: {  	_ =	swait.ge [sflag:s5], $0x2000  }
0x18d: {  	[sflag:s5] =	ssyncset.done $0x0  }
0x18e: {  	p1 =	sne.s32 s1, $0x1;
	[sflag:s5] =	ssyncadd.s32 $0xFFFFE000  }
.Ltmp2:
0x18f: {  	[bflag:$0x0] =	sbarrier.arrive $0xFFFF;
	(pc) =	sbr.rel @p1 .LBB2_4-.Ltmp2, $4  }
0x190: {  	s16 =	rddreg [dreg:$0x7]  }
0x191: {  	[hbm:s16], [sflag:s3] =	dma.local [spmem:s4], $0x500  }
0x192: {  	_ =	swait.ge [sflag:s5], $0x500  }
0x193: {  	s1 =	sadd.s32 $0xFFFFFFFF, s1;
	s0 =	rddreg [dreg:$0x4];
	[sflag:s5] =	ssyncset.done $0x0  }
0x194: {  	s17 =	simm.s32 $0x1E00  }
0x195: {  	s29 =	simm.s32 $0x4000;
	s28 =	simm.s32 $0x2000;
	s26 =	simm.s32 $0x4200  }
0x196: {  	s25 =	simm.s32 $0x2200;
	s24 =	simm.s32 $0x4400;
	s23 =	simm.s32 $0x4600  }
0x197: {  	s22 =	simm.s32 $0x2400;
	s21 =	simm.s32 $0x2600;
	s20 =	simm.s32 $0x4800  }
0x198: {  	s19 =	simm.s32 $0x4A00;
	s18 =	simm.s32 $0x4C00;
	s16 =	stileid.u32  }
.LBB2_6:
0x199: {  	[sflag:s5] =	ssyncadd.s32 @p0 $0xFFFFFB00  }
0x19a: {  	[spmem:s4], [sflag:s3] =	dma.local [hbm:s0], $0x500  }
0x19b: {  	_ =	swait.ge [sflag:s5], $0x500  }
0x19c: {  	[sflag:s5] =	ssyncset.done $0x0  }
0x19d: {  	s1 =	rddreg [dreg:$0x5];
	[sflag:s5] =	ssyncadd.s32 $0xFFFFFB00  }
0x19e: {  	[tilespmem:s30], [sflag:$0x5] =	stream.linear.gather [hbm4b:s1+s30], $0x2800, $0x38;
	[tilespmem:$0xF800] =	vst v63  }
0x19f: {  	_ =	swait.ge [sflag:s5], $0x2800  }
0x1a0: {  	[sflag:s5] =	ssyncset.done $0x0  }
0x1a1: {  	s1 =	rddreg [dreg:$0x6];
	[sflag:s5] =	ssyncadd.s32 $0xFFFFD800  }
0x1a2: {  	[tilespmem:s31], [sflag:$0x5] =	stream.linear.gather [hbm4b:s1+s30], $0x2800, $0x38;
	[tilespmem:$0xF800] =	vst v63  }
0x1a3: {  	_ =	swait.ge [sflag:s5], $0x2800  }
0x1a4: {  	[sflag:s5] =	ssyncset.done $0x0  }
0x1a5: {  	[sflag:s5] =	ssyncadd.s32 $0xFFFFD800  }
0x1a6: {  	[bflag:$0x0] =	sbarrier.arrive $0xFFFF  }
0x1a7: {  	[tilespmem:s11], [sflag:$0x1] =	stream.indirect.gather [hbm4b:s6+s7], $0x10, s30, s7, $0xb8;
	[tilespmem:$0xF800] =	vst v63  }
0x1a8: {  	_ = 	snop  }
0x1a9: {  	[tilespmem:s10], [sflag:$0x2] =	stream.indirect.gather [hbm4b:s6+s7], $0x10, s7, s7, $0xb8;
	[tilespmem:$0xF800] =	vst v63  }
0x1aa: {  	s30 =	rddreg [dreg:$0x8]  }
0x1ab: {  	[tilespmem:s9], [sflag:$0x3] =	stream.indirect.gather [hbm4b:s6+s7], $0x10, s30, s7, $0xb8;
	[tilespmem:$0xF800] =	vst v63  }
0x1ac: {  	s1 =	rddreg [dreg:$0x9]  }
0x1ad: {  	[tilespmem:s8], [sflag:$0x4] =	stream.indirect.gather [hbm4b:s6+s7], $0x10, s1, s7, $0xb8;
	[tilespmem:$0xF800] =	vst v63  }
0x1ae: {  	_ =	swait.ge [sflag:s15], $0x2000  }
0x1af: {  	[sflag:s15] =	ssyncset.done $0x0  }
0x1b0: {  	[sflag:s15] =	ssyncadd.s32 $0xFFFFE000  }
0x1b1: {  	[spmem:s2] =	stream.indirect.scatter.add.f32 [tilespmem:s11], [sflag:$0x5], $0x10, s31, s7, $0xb8;
	[tilespmem:$0xF800] =	vst v63  }
0x1b2: {  	_ =	swait.ge [sflag:s5], $0x2000  }
0x1b3: {  	[sflag:s5] =	ssyncset.done $0x0  }
0x1b4: {  	s1 =	rddreg [dreg:$0xa];
	[sflag:s5] =	ssyncadd.s32 $0xFFFFE000  }
0x1b5: {  	[tilespmem:s11], [sflag:$0x1] =	stream.indirect.gather [hbm4b:s6+s7], $0x10, s1, s7, $0xb8;
	[tilespmem:$0xF800] =	vst v63  }
0x1b6: {  	_ =	swait.ge [sflag:s14], $0x2000  }
0x1b7: {  	[sflag:s14] =	ssyncset.done $0x0  }
0x1b8: {  	s30 =	rddreg [dreg:$0xb];
	[sflag:s14] =	ssyncadd.s32 $0xFFFFE000  }
0x1b9: {  	[spmem:s2] =	stream.indirect.scatter.add.f32 [tilespmem:s10], [sflag:$0x5], $0x10, s30, s7, $0xb8;
	[tilespmem:$0xF800] =	vst v63  }
0x1ba: {  	_ =	swait.ge [sflag:s5], $0x2000  }
0x1bb: {  	[sflag:s5] =	ssyncset.done $0x0  }
0x1bc: {  	s31 =	rddreg [dreg:$0xc];
	[sflag:s5] =	ssyncadd.s32 $0xFFFFE000  }
0x1bd: {  	[tilespmem:s10], [sflag:$0x2] =	stream.indirect.gather [hbm4b:s6+s7], $0x10, s31, s7, $0xb8;
	[tilespmem:$0xF800] =	vst v63  }
0x1be: {  	_ =	swait.ge [sflag:s13], $0x2000  }
0x1bf: {  	[sflag:s13] =	ssyncset.done $0x0  }
0x1c0: {  	s1 =	rddreg [dreg:$0xd];
	[sflag:s13] =	ssyncadd.s32 $0xFFFFE000  }
0x1c1: {  	[spmem:s2] =	stream.indirect.scatter.add.f32 [tilespmem:s9], [sflag:$0x5], $0x10, s1, s7, $0xb8;
	[tilespmem:$0xF800] =	vst v63  }
0x1c2: {  	_ =	swait.ge [sflag:s5], $0x2000  }
0x1c3: {  	[sflag:s5] =	ssyncset.done $0x0  }
0x1c4: {  	s30 =	rddreg [dreg:$0xe];
	[sflag:s5] =	ssyncadd.s32 $0xFFFFE000  }
0x1c5: {  	[tilespmem:s9], [sflag:$0x3] =	stream.indirect.gather [hbm4b:s6+s7], $0x10, s30, s7, $0xb8;
	[tilespmem:$0xF800] =	vst v63  }
0x1c6: {  	_ =	swait.ge [sflag:s12], $0x2000  }
0x1c7: {  	[sflag:s12] =	ssyncset.done $0x0  }
0x1c8: {  	s31 =	rddreg [dreg:$0xf];
	[sflag:s12] =	ssyncadd.s32 $0xFFFFE000  }
0x1c9: {  	[spmem:s2] =	stream.indirect.scatter.add.f32 [tilespmem:s8], [sflag:$0x5], $0x10, s31, s7, $0xb8;
	[tilespmem:$0xF800] =	vst v63  }
0x1ca: {  	_ =	swait.ge [sflag:s5], $0x2000  }
0x1cb: {  	[sflag:s5] =	ssyncset.done $0x0  }
0x1cc: {  	s1 =	rddreg [dreg:$0x10];
	[sflag:s5] =	ssyncadd.s32 $0xFFFFE000  }
0x1cd: {  	[tilespmem:s8], [sflag:$0x4] =	stream.indirect.gather [hbm4b:s6+s7], $0x10, s1, s7, $0xb8;
	[tilespmem:$0xF800] =	vst v63  }
0x1ce: {  	_ =	swait.ge [sflag:s15], $0x2000  }
0x1cf: {  	[sflag:s15] =	ssyncset.done $0x0  }
0x1d0: {  	s30 =	rddreg [dreg:$0x11];
	[sflag:s15] =	ssyncadd.s32 $0xFFFFE000  }
0x1d1: {  	[spmem:s2] =	stream.indirect.scatter.add.f32 [tilespmem:s11], [sflag:$0x5], $0x10, s30, s7, $0xb8;
	[tilespmem:$0xF800] =	vst v63  }
0x1d2: {  	_ =	swait.ge [sflag:s5], $0x2000  }
0x1d3: {  	[sflag:s5] =	ssyncset.done $0x0  }
0x1d4: {  	s31 =	rddreg [dreg:$0x12];
	[sflag:s5] =	ssyncadd.s32 $0xFFFFE000  }
0x1d5: {  	[tilespmem:s11], [sflag:$0x1] =	stream.indirect.gather [hbm4b:s6+s7], $0x10, s31, s7, $0xb8;
	[tilespmem:$0xF800] =	vst v63  }
0x1d6: {  	_ =	swait.ge [sflag:s14], $0x2000  }
0x1d7: {  	[sflag:s14] =	ssyncset.done $0x0  }
0x1d8: {  	s1 =	rddreg [dreg:$0x13];
	[sflag:s14] =	ssyncadd.s32 $0xFFFFE000  }
0x1d9: {  	[spmem:s2] =	stream.indirect.scatter.add.f32 [tilespmem:s10], [sflag:$0x5], $0x10, s1, s7, $0xb8;
	[tilespmem:$0xF800] =	vst v63  }
0x1da: {  	_ =	swait.ge [sflag:s5], $0x2000  }
0x1db: {  	[sflag:s5] =	ssyncset.done $0x0  }
0x1dc: {  	s30 =	rddreg [dreg:$0x14];
	[sflag:s5] =	ssyncadd.s32 $0xFFFFE000  }
0x1dd: {  	[tilespmem:s10], [sflag:$0x2] =	stream.indirect.gather [hbm4b:s6+s7], $0x10, s30, s7, $0xb8;
	[tilespmem:$0xF800] =	vst v63  }
0x1de: {  	_ =	swait.ge [sflag:s13], $0x2000  }
0x1df: {  	[sflag:s13] =	ssyncset.done $0x0  }
0x1e0: {  	s31 =	rddreg [dreg:$0x15];
	[sflag:s13] =	ssyncadd.s32 $0xFFFFE000  }
0x1e1: {  	[spmem:s2] =	stream.indirect.scatter.add.f32 [tilespmem:s9], [sflag:$0x5], $0x10, s31, s7, $0xb8;
	[tilespmem:$0xF800] =	vst v63  }
0x1e2: {  	_ =	swait.ge [sflag:s5], $0x2000  }
0x1e3: {  	[sflag:s5] =	ssyncset.done $0x0  }
0x1e4: {  	s1 =	rddreg [dreg:$0x16];
	[sflag:s5] =	ssyncadd.s32 $0xFFFFE000  }
0x1e5: {  	[tilespmem:s9], [sflag:$0x3] =	stream.indirect.gather [hbm4b:s6+s7], $0x10, s1, s7, $0xb8;
	[tilespmem:$0xF800] =	vst v63  }
0x1e6: {  	_ =	swait.ge [sflag:s12], $0x2000  }
0x1e7: {  	[sflag:s12] =	ssyncset.done $0x0  }
0x1e8: {  	s30 =	rddreg [dreg:$0x17];
	[sflag:s12] =	ssyncadd.s32 $0xFFFFE000  }
0x1e9: {  	[spmem:s2] =	stream.indirect.scatter.add.f32 [tilespmem:s8], [sflag:$0x5], $0x10, s30, s7, $0xb8;
	[tilespmem:$0xF800] =	vst v63  }
0x1ea: {  	_ =	swait.ge [sflag:s5], $0x2000  }
0x1eb: {  	[sflag:s5] =	ssyncset.done $0x0  }
0x1ec: {  	s31 =	rddreg [dreg:$0x18];
	[sflag:s5] =	ssyncadd.s32 $0xFFFFE000  }
0x1ed: {  	[tilespmem:s8], [sflag:$0x4] =	stream.indirect.gather [hbm4b:s6+s7], $0x10, s31, s7, $0xb8;
	[tilespmem:$0xF800] =	vst v63  }
0x1ee: {  	_ =	swait.ge [sflag:s15], $0x2000  }
0x1ef: {  	[sflag:s15] =	ssyncset.done $0x0  }
0x1f0: {  	s1 =	rddreg [dreg:$0x19];
	[sflag:s15] =	ssyncadd.s32 $0xFFFFE000  }
0x1f1: {  	[spmem:s2] =	stream.indirect.scatter.add.f32 [tilespmem:s11], [sflag:$0x5], $0x10, s1, s7, $0xb8;
	[tilespmem:$0xF800] =	vst v63  }
0x1f2: {  	_ =	swait.ge [sflag:s5], $0x2000  }
0x1f3: {  	[sflag:s5] =	ssyncset.done $0x0  }
0x1f4: {  	s30 =	rddreg [dreg:$0x1a];
	[sflag:s5] =	ssyncadd.s32 $0xFFFFE000  }
0x1f5: {  	[tilespmem:s11], [sflag:$0x1] =	stream.indirect.gather [hbm4b:s6+s7], $0x10, s30, s7, $0xb8;
	[tilespmem:$0xF800] =	vst v63  }
0x1f6: {  	_ =	swait.ge [sflag:s14], $0x2000  }
0x1f7: {  	[sflag:s14] =	ssyncset.done $0x0  }
0x1f8: {  	s31 =	rddreg [dreg:$0x1b];
	[sflag:s14] =	ssyncadd.s32 $0xFFFFE000  }
0x1f9: {  	[spmem:s2] =	stream.indirect.scatter.add.f32 [tilespmem:s10], [sflag:$0x5], $0x10, s31, s7, $0xb8;
	[tilespmem:$0xF800] =	vst v63  }
0x1fa: {  	_ =	swait.ge [sflag:s5], $0x2000  }
0x1fb: {  	[sflag:s5] =	ssyncset.done $0x0  }
0x1fc: {  	s1 =	rddreg [dreg:$0x1c];
	[sflag:s5] =	ssyncadd.s32 $0xFFFFE000  }
0x1fd: {  	[tilespmem:s10], [sflag:$0x2] =	stream.indirect.gather [hbm4b:s6+s7], $0x10, s1, s7, $0xb8;
	[tilespmem:$0xF800] =	vst v63  }
0x1fe: {  	_ =	swait.ge [sflag:s13], $0x2000  }
0x1ff: {  	[sflag:s13] =	ssyncset.done $0x0  }
0x200: {  	s30 =	rddreg [dreg:$0x1d];
	[sflag:s13] =	ssyncadd.s32 $0xFFFFE000  }
0x201: {  	[spmem:s2] =	stream.indirect.scatter.add.f32 [tilespmem:s9], [sflag:$0x5], $0x10, s30, s7, $0xb8;
	[tilespmem:$0xF800] =	vst v63  }
0x202: {  	_ =	swait.ge [sflag:s5], $0x2000  }
0x203: {  	[sflag:s5] =	ssyncset.done $0x0  }
0x204: {  	s31 =	rddreg [dreg:$0x1e];
	[sflag:s5] =	ssyncadd.s32 $0xFFFFE000  }
0x205: {  	[tilespmem:s9], [sflag:$0x3] =	stream.indirect.gather [hbm4b:s6+s7], $0x10, s31, s7, $0xb8;
	[tilespmem:$0xF800] =	vst v63  }
0x206: {  	_ =	swait.ge [sflag:s12], $0x2000  }
0x207: {  	[sflag:s12] =	ssyncset.done $0x0  }
0x208: {  	s1 =	rddreg [dreg:$0x1f];
	[sflag:s12] =	ssyncadd.s32 $0xFFFFE000  }
0x209: {  	[spmem:s2] =	stream.indirect.scatter.add.f32 [tilespmem:s8], [sflag:$0x5], $0x10, s1, s7, $0xb8;
	[tilespmem:$0xF800] =	vst v63  }
0x20a: {  	_ =	swait.ge [sflag:s5], $0x2000  }
0x20b: {  	[sflag:s5] =	ssyncset.done $0x0  }
0x20c: {  	[sflag:s5] =	ssyncadd.s32 $0xFFFFE000  }
0x20d: {  	[tilespmem:s8], [sflag:$0x4] =	stream.indirect.gather [hbm4b:s6+s7], $0x10, s17, s7, $0xb8;
	[tilespmem:$0xF800] =	vst v63  }
0x20e: {  	_ =	swait.ge [sflag:s15], $0x2000  }
0x20f: {  	[sflag:s15] =	ssyncset.done $0x0  }
0x210: {  	[sflag:s15] =	ssyncadd.s32 $0xFFFFE000  }
0x211: {  	[spmem:s2] =	stream.indirect.scatter.add.f32 [tilespmem:s11], [sflag:$0x5], $0x10, s29, s7, $0xb8;
	[tilespmem:$0xF800] =	vst v63  }
0x212: {  	_ =	swait.ge [sflag:s5], $0x2000  }
0x213: {  	[sflag:s5] =	ssyncset.done $0x0  }
0x214: {  	[sflag:s5] =	ssyncadd.s32 $0xFFFFE000  }
0x215: {  	[tilespmem:s11], [sflag:$0x1] =	stream.indirect.gather [hbm4b:s6+s7], $0x10, s28, s7, $0xb8;
	[tilespmem:$0xF800] =	vst v63  }
0x216: {  	_ =	swait.ge [sflag:s14], $0x2000  }
0x217: {  	[sflag:s14] =	ssyncset.done $0x0  }
0x218: {  	[sflag:s14] =	ssyncadd.s32 $0xFFFFE000  }
0x219: {  	[spmem:s2] =	stream.indirect.scatter.add.f32 [tilespmem:s10], [sflag:$0x5], $0x10, s26, s7, $0xb8;
	[tilespmem:$0xF800] =	vst v63  }
0x21a: {  	_ =	swait.ge [sflag:s5], $0x2000  }
0x21b: {  	[sflag:s5] =	ssyncset.done $0x0  }
0x21c: {  	[sflag:s5] =	ssyncadd.s32 $0xFFFFE000  }
0x21d: {  	[tilespmem:s10], [sflag:$0x2] =	stream.indirect.gather [hbm4b:s6+s7], $0x10, s25, s7, $0xb8;
	[tilespmem:$0xF800] =	vst v63  }
0x21e: {  	_ =	swait.ge [sflag:s13], $0x2000  }
0x21f: {  	[sflag:s13] =	ssyncset.done $0x0  }
0x220: {  	[sflag:s13] =	ssyncadd.s32 $0xFFFFE000  }
0x221: {  	[spmem:s2] =	stream.indirect.scatter.add.f32 [tilespmem:s9], [sflag:$0x5], $0x10, s24, s7, $0xb8;
	[tilespmem:$0xF800] =	vst v63  }
0x222: {  	_ =	swait.ge [sflag:s5], $0x2000  }
0x223: {  	[sflag:s5] =	ssyncset.done $0x0  }
0x224: {  	[sflag:s5] =	ssyncadd.s32 $0xFFFFE000  }
0x225: {  	[tilespmem:s9], [sflag:$0x3] =	stream.indirect.gather [hbm4b:s6+s7], $0x10, s22, s7, $0xb8;
	[tilespmem:$0xF800] =	vst v63  }
0x226: {  	_ =	swait.ge [sflag:s12], $0x2000  }
0x227: {  	[sflag:s12] =	ssyncset.done $0x0  }
0x228: {  	[sflag:s12] =	ssyncadd.s32 $0xFFFFE000  }
0x229: {  	[spmem:s2] =	stream.indirect.scatter.add.f32 [tilespmem:s8], [sflag:$0x5], $0x10, s23, s7, $0xb8;
	[tilespmem:$0xF800] =	vst v63  }
0x22a: {  	_ =	swait.ge [sflag:s5], $0x2000  }
0x22b: {  	[sflag:s5] =	ssyncset.done $0x0  }
0x22c: {  	[sflag:s5] =	ssyncadd.s32 $0xFFFFE000  }
0x22d: {  	[tilespmem:s8], [sflag:$0x4] =	stream.indirect.gather [hbm4b:s6+s7], $0x10, s21, s7, $0xb8;
	[tilespmem:$0xF800] =	vst v63  }
0x22e: {  	_ =	swait.ge [sflag:s15], $0x2000  }
0x22f: {  	[sflag:s15] =	ssyncset.done $0x0  }
0x230: {  	[sflag:s15] =	ssyncadd.s32 $0xFFFFE000  }
0x231: {  	[spmem:s2] =	stream.indirect.scatter.add.f32 [tilespmem:s11], [sflag:$0x5], $0x10, s20, s7, $0xb8;
	[tilespmem:$0xF800] =	vst v63  }
0x232: {  	_ =	swait.ge [sflag:s5], $0x2000  }
0x233: {  	[sflag:s5] =	ssyncset.done $0x0  }
0x234: {  	[sflag:s5] =	ssyncadd.s32 $0xFFFFE000  }
0x235: {  	_ =	swait.ge [sflag:s14], $0x2000  }
0x236: {  	[sflag:s14] =	ssyncset.done $0x0  }
0x237: {  	[sflag:s14] =	ssyncadd.s32 $0xFFFFE000  }
0x238: {  	[spmem:s2] =	stream.indirect.scatter.add.f32 [tilespmem:s10], [sflag:$0x5], $0x10, s19, s7, $0xb8;
	[tilespmem:$0xF800] =	vst v63  }
0x239: {  	_ =	swait.ge [sflag:s5], $0x2000  }
0x23a: {  	[sflag:s5] =	ssyncset.done $0x0  }
0x23b: {  	[sflag:s5] =	ssyncadd.s32 $0xFFFFE000  }
0x23c: {  	_ =	swait.ge [sflag:s13], $0x2000  }
0x23d: {  	[sflag:s13] =	ssyncset.done $0x0  }
0x23e: {  	[sflag:s13] =	ssyncadd.s32 $0xFFFFE000  }
0x23f: {  	[spmem:s2] =	stream.indirect.scatter.add.f32 [tilespmem:s9], [sflag:$0x5], $0x10, s18, s7, $0xb8;
	[tilespmem:$0xF800] =	vst v63  }
0x240: {  	_ =	swait.ge [sflag:s5], $0x2000  }
0x241: {  	[sflag:s5] =	ssyncset.done $0x0  }
0x242: {  	[sflag:s5] =	ssyncadd.s32 $0xFFFFE000  }
0x243: {  	_ =	swait.ge [sflag:s12], $0x2000  }
0x244: {  	[sflag:s12] =	ssyncset.done $0x0  }
0x245: {  	s30 =	simm.s32 $0x4E00;
	[sflag:s12] =	ssyncadd.s32 $0xFFFFE000  }
0x246: {  	[spmem:s2] =	stream.indirect.scatter.add.f32 [tilespmem:s8], [sflag:$0x5], $0x10, s30, s7, $0xb8;
	[tilespmem:$0xF800] =	vst v63  }
0x247: {  	_ =	swait.ge [sflag:s5], $0x2000  }
0x248: {  	[sflag:s5] =	ssyncset.done $0x0  }
0x249: {  	[sflag:s5] =	ssyncadd.s32 $0xFFFFE000  }
0x24a: {  	[bflag:$0x0] =	sbarrier.arrive $0xFFFF  }
0x24b: {  	s31 =	rddreg [dreg:$0x7]  }
0x24c: {  	[hbm:s31], [sflag:s3] =	dma.local [spmem:s4], $0x500  }
0x24d: {  	_ =	swait.ge [sflag:s5], $0x500  }
0x24e: {  	[sflag:s5] =	ssyncset.done $0x0  }
0x24f: {  	[sflag:s5] =	ssyncadd.s32 $0xFFFFFB00  }
0x250: {  	_ =	sfence.sel $0x180000  }
0x251: {  	[bflag:$0x0] =	sbarrier.arrive $0xFFFF  }
0x252: {  	_ =	strace $0x9000004A  }
0x253: {  	[bflag:$0x2] =	sbarrier.arrive $0xFFFF  }
0x254: {  	p0 =	sne.s32 s16, $0x0;
	s0 =	rddreg [dreg:$0x3]  }
0x255: {  	s0 =	sadd.s32 @!p0 $0x100000, s0  }
0x256: {  	[sflag:s0] =	ssyncadd.tile.s32 @!p0 $0x1;
	_ =	shalt  }
.LBB2_1:
.Ltmp3:
0x257: {  	(pc) =	sbr.rel .LBB2_6-.Ltmp3, $4  }
0x258: {  	s17 =	simm.s32 $0x1E00;
	s29 =	simm.s32 $0x4000;
	s28 =	simm.s32 $0x2000  }
0x259: {  	s26 =	simm.s32 $0x4200;
	s25 =	simm.s32 $0x2200;
	s24 =	simm.s32 $0x4400  }
0x25a: {  	s23 =	simm.s32 $0x4600;
	s22 =	simm.s32 $0x2400;
	s21 =	simm.s32 $0x2600  }
0x25b: {  	s20 =	simm.s32 $0x4800;
	s19 =	simm.s32 $0x4A00;
	s18 =	simm.s32 $0x4C00  }
.LBB2_3:
.Ltmp4:
0x25c: {  	s17 =	simm.s32 $0x1E00;
	(pc) =	sbr.rel .LBB2_6-.Ltmp4, $4  }
0x25d: {  	s29 =	simm.s32 $0x4000;
	s28 =	simm.s32 $0x2000;
	s26 =	simm.s32 $0x4200  }
0x25e: {  	s25 =	simm.s32 $0x2200;
	s24 =	simm.s32 $0x4400;
	s23 =	simm.s32 $0x4600  }
0x25f: {  	s22 =	simm.s32 $0x2400;
	s21 =	simm.s32 $0x2600;
	s20 =	simm.s32 $0x4800  }
0x260: {  	s19 =	simm.s32 $0x4A00;
	s18 =	simm.s32 $0x4C00;
	s16 =	stileid.u32  }
.Lfunc_end2:
_tile_overlayer_lowered:
.L_overlay_start_2:
0x261: {  	(tag) =	ssettag $0x2  }
0x262: {  	s0 =	rddreg [dreg:$0x0];
	s2 =	stileid.u32  }
0x263: {  	s1 =	rddreg [dreg:$0x1];
	p0 =	sne.s32 s2, $0x0  }
0x264: {  	s3 =	rddreg [dreg:$0x2];
	[bflag:$0x3] =	sbarrier.arrive $0xFFFF;
	s2 =	simm.s32 @!p0 $0x1C05  }
0x265: {  	[timem:s3], [sflag:s2] =	dma.local @!p0 [hbm:s0], s1  }
0x266: {  	s0 =	simm.s32 @!p0 $0x5  }
0x267: {  	_ =	swait.ge @!p0 [sflag:s0], s1  }
0x268: {  	s1 =	ssub.s32 @!p0 $0x0, s1;
	[sflag:s0] =	ssyncset.done @!p0 $0x0  }
0x269: {  	[sflag:s0] =	ssyncadd.s32 @!p0 s1  }
0x26a: {  	[bflag:$0x3] =	sbarrier.arrive $0xFFFF  }
0x26b: {  	_ =	shalt  }

// kernel: kernel.7.cloned.1.call-start
scs
__scs_entry_jumppad:
0x0: {  	(pc) =	sbr.rel $0x88, $3  }
0x1: {  	(tag) =	ssettag $0x0;
	lr =	simm.s32 $0x1  }
0x2: {  	[smem:$0x3F9D] =	sst lr;
	_ =	strace $0xD0000000  }
0x3: {  	_ = 	snop  }
0x4: {  	_ = 	snop  }
0x5: {  	_ = 	snop  }
0x6: {  	_ = 	snop  }
0x7: {  	_ = 	snop  }
__scs_overlays_trampoline_lowered:
0x8: {  	[smem:$0x3FAC] =	sst s0  }
0x9: {  	[smem:$0x3FAD] =	sst s1  }
0xa: {  	[smem:$0x3FAE] =	sst s2  }
0xb: {  	[smem:$0x3FAF] =	sst s3  }
0xc: {  	[smem:$0x3FB0] =	sst s4  }
0xd: {  	[smem:$0x3FB1] =	sst s5  }
0xe: {  	[smem:$0x3FB2] =	sst s6  }
0xf: {  	[smem:$0x3FB3] =	sst s7  }
0x10: {  	[smem:$0x3FB4] =	sst s8  }
0x11: {  	[smem:$0x3FB5] =	sst s9;
	s0 =	simm.s32 @!p0 $0x0  }
0x12: {  	s1 =	sld [smem:$0x3F9B];
	s0 =	simm.s32 @p0 $0x1  }
0x13: {  	[smem:$0x3FB6] =	sst s0;
	s0 =	simm.s32 @!p1 $0x0  }
0x14: {  	s2 =	sld [smem:$0x3F9A];
	s0 =	simm.s32 @p1 $0x1  }
0x15: {  	[smem:$0x3FB7] =	sst s0;
	s0 =	simm.s32 @!p2 $0x0  }
0x16: {  	s3 =	sld [smem:$0x3FDB];
	s0 =	simm.s32 @p2 $0x1  }
0x17: {  	s4 =	simm.s32 $0x1BF5;
	[smem:$0x3FB9] =	sst s0  }
0x18: {  	s0 =	sld [smem:$0x3F9C];
	_ =	swait.ge [sflag:s4], $0x0  }
0x19: {  	s7 =	sld [smem:$0x3F9D]  }
0x1a: {  	s8 =	sadd.s32 $0xFFFFE003, lr  }
0x1b: {  	s9 =	sadd.s32 $0xFFFFFEF7, lr;
	s5 =	simm.s32 $0xFFFFFFFF;
	p2 =	slt.u32 s8, $0xFFFFF086  }
0x1c: {  	p1 =	slt.u32 s9, $0xF7A;
	s5 =	simm.s32 @!p2 $0x0  }
0x1d: {  	s5 =	simm.s32 @p1 $0x1;
	p0 =	seq.s32 s7, s2  }
0x1e: {  	s7 =	smul.u32 @!p0 $0xF7A, s2;
	p2 =	seq.s32 @!p0 s5, $0x0  }
0x1f: {  	s9 =	smul.u32 $0xF7A, s1;
	s8 =	simm.s32 @!p0 $0x1BF5;
	p2 =	por !p2, p0  }
0x20: {  	[sflag:s8] =	ssyncset.s32 @!p0 $0xFFFFF086;
	s6 =	sadd.s32 @!p0 s3, s7;
	s7 =	simm.s32 @!p0 $0x108  }
0x21: {  	s3 =	sadd.s32 s3, s9;
	s6 =	sadd.s32 @!p0 $0x88, s6;
	s7 =	simm.s32 @p2 $0x1082  }
0x22: {  	[simem:s7], [sflag:s8] =	dma.local @!p0 [hbm:s6], $0xF7A  }
0x23: {  	s9 =	sor.u32 $0xD0000000, s2;
	s6 =	simm.s32 $0x108;
	_ =	swait.ge @!p0 [sflag:s8], $0x0  }
0x24: {  	s3 =	sadd.s32 $0x88, s3;
	s6 =	simm.s32 @!p1 $0x1082;
	[sflag:s4] =	ssyncset.s32 $0xFFFFF086  }
0x25: {  	[simem:s6], [sflag:s4] =	dma.local [hbm:s3], $0xF7A  }
0x26: {  	[smem:$0x3F9D] =	sst s1;
	(tag) =	ssettag s2;
	_ =	strace s9  }
0x27: {  	s1 =	sld [smem:$0x3FAD]  }
0x28: {  	s2 =	sld [smem:$0x3FAE]  }
0x29: {  	s4 =	sld [smem:$0x3FB0]  }
0x2a: {  	p0 =	seq.s32 s5, $0x0;
	s5 =	sld [smem:$0x3FB1]  }
0x2b: {  	s6 =	sld [smem:$0x3FB2]  }
0x2c: {  	s7 =	sld [smem:$0x3FB3]  }
0x2d: {  	s3 =	simm.s32 $0x108;
	s8 =	sld [smem:$0x3FB4]  }
0x2e: {  	s3 =	simm.s32 @!p0 $0x1082;
	s9 =	sld [smem:$0x3FB5]  }
0x2f: {  	lr =	sadd.s32 s0, s3;
	s0 =	sld [smem:$0x3FAC]  }
0x30: {  	s3 =	sld [smem:$0x3FAF]  }
0x31: {  	[smem:$0x3FB8] =	sst s10  }
0x32: {  	s10 =	sld [smem:$0x3FB6];
	_ =	sdelay $0x3  }
0x33: {  	p0 =	seq.s32 s10, $0x1;
	s10 =	sld [smem:$0x3FB8];
	_ =	sdelay $0x3  }
0x34: {  	[smem:$0x3FB8] =	sst s10  }
0x35: {  	s10 =	sld [smem:$0x3FB7];
	_ =	sdelay $0x3  }
0x36: {  	p1 =	seq.s32 s10, $0x1;
	s10 =	sld [smem:$0x3FB8];
	_ =	sdelay $0x3  }
0x37: {  	[smem:$0x3FB8] =	sst s10  }
0x38: {  	s10 =	sld [smem:$0x3FB9]  }
0x39: {  	_ = 	snop;
	(pc) =	sbr.ind lr, $3  }
0x3a: {  	_ = 	snop  }
0x3b: {  	_ = 	snop  }
0x3c: {  	p2 =	seq.s32 s10, $0x1;
	s10 =	sld [smem:$0x3FB8]  }
0x3d: {  	_ =	shalt  }
0x3e: {  	_ =	shalt  }
0x3f: {  	_ =	shalt  }
0x40: {  	_ =	shalt  }
0x41: {  	_ =	shalt  }
0x42: {  	_ =	shalt  }
0x43: {  	_ =	shalt  }
0x44: {  	_ =	shalt  }
0x45: {  	_ =	shalt  }
0x46: {  	_ =	shalt  }
0x47: {  	_ =	shalt  }
0x48: {  	_ =	shalt  }
0x49: {  	_ =	shalt  }
0x4a: {  	_ =	shalt  }
0x4b: {  	_ =	shalt  }
0x4c: {  	_ =	shalt  }
0x4d: {  	_ =	shalt  }
0x4e: {  	_ =	shalt  }
0x4f: {  	_ =	shalt  }
0x50: {  	_ =	shalt  }
0x51: {  	_ =	shalt  }
0x52: {  	_ =	shalt  }
0x53: {  	_ =	shalt  }
0x54: {  	_ =	shalt  }
0x55: {  	_ =	shalt  }
0x56: {  	_ =	shalt  }
0x57: {  	_ =	shalt  }
0x58: {  	_ =	shalt  }
0x59: {  	_ =	shalt  }
0x5a: {  	_ =	shalt  }
0x5b: {  	_ =	shalt  }
0x5c: {  	_ =	shalt  }
0x5d: {  	_ =	shalt  }
0x5e: {  	_ =	shalt  }
0x5f: {  	_ =	shalt  }
0x60: {  	_ =	shalt  }
0x61: {  	_ =	shalt  }
0x62: {  	_ =	shalt  }
0x63: {  	_ =	shalt  }
0x64: {  	_ =	shalt  }
0x65: {  	_ =	shalt  }
0x66: {  	_ =	shalt  }
0x67: {  	_ =	shalt  }
0x68: {  	_ =	shalt  }
0x69: {  	_ =	shalt  }
0x6a: {  	_ =	shalt  }
0x6b: {  	_ =	shalt  }
0x6c: {  	_ =	shalt  }
0x6d: {  	_ =	shalt  }
0x6e: {  	_ =	shalt  }
0x6f: {  	_ =	shalt  }
0x70: {  	_ =	shalt  }
0x71: {  	_ =	shalt  }
0x72: {  	_ =	shalt  }
0x73: {  	_ =	shalt  }
0x74: {  	_ =	shalt  }
0x75: {  	_ =	shalt  }
0x76: {  	_ =	shalt  }
0x77: {  	_ =	shalt  }
0x78: {  	_ =	shalt  }
0x79: {  	_ =	shalt  }
0x7a: {  	_ =	shalt  }
0x7b: {  	_ =	shalt  }
0x7c: {  	_ =	shalt  }
0x7d: {  	_ =	shalt  }
0x7e: {  	_ =	shalt  }
0x7f: {  	_ =	shalt  }
0x80: {  	_ =	shalt  }
0x81: {  	_ =	shalt  }
0x82: {  	_ =	shalt  }
0x83: {  	_ =	shalt  }
0x84: {  	_ =	shalt  }
0x85: {  	_ =	shalt  }
0x86: {  	_ =	shalt  }
0x87: {  	_ =	shalt  }
.Lfunc_end0:
.L_simem_size_0:
called_computation_lowered:
.L_overlay_start_0:
0x88: {  	s2 =	sld [smem:$0x3FD9]  }
0x89: {  	s3 =	sld [smem:$0x3FFE];
	_ =	sdelay $0x1  }
0x8a: {  	s1 =	srdreg.scid  }
0x8b: {  	s0 =	sand.u32 $0x1, s1  }
0x8c: {  	s17 =	sshll.u32 s0, $0xA;
	s2 =	sadd.s32 s3, s2  }
0x8d: {  	s2 =	sadd.s32 s2, s17  }
0x8e: {  	[smem:$0x3FC4] =	sst s2  }
0x8f: {  	_ = 	snop  }
0x90: {  	s2 =	sld [smem:$0x3FD0];
	(tm) =	ssettm $0x1  }
0x91: {  	s18 =	sld [smem:$0x3FFB];
	_ =	sdelay $0x3  }
0x92: {  	_ =	strace s18  }
0x93: {  	s3 =	sld [smem:$0x3FFC];
	_ =	sdelay $0x3  }
0x94: {  	_ =	strace s3  }
0x95: {  	s3 =	sld [smem:$0x3FFD];
	_ =	sdelay $0x3  }
0x96: {  	_ =	strace s3  }
0x97: {  	_ =	strace $0x8FFFFFFF  }
0x98: {  	s19 =	sld [smem:$0x3FDB];
	_ =	sdelay $0x1  }
0x99: {  	s4 =	simm.s32 $_scs_section_size  }
0x9a: {  	s5 =	simm.s32 $_size__tile_overlayer_lowered;
	s6 =	simm.s32 $_tile_overlayer_lowered  }
0x9b: {  	s22 =	simm.s32 $0x1BFF;
	s21 =	sshll.u32 s6, $0x1;
	s3 =	sadd.s32 s4, s19  }
0x9c: {  	s7 =	simm.s32 $0x0;
	s20 =	sshll.u32 s5, $0x1;
	s5 =	sadd.s32 s21, s3  }
0x9d: {  	[timem:s7], [sflag:s22] =	dma.local [hbm:s5], s20  }
0x9e: {  	_ =	swait.ge [sflag:s22], s20  }
0x9f: {  	s4 =	ssub.s32 $0x0, s20;
	[sflag:s22] =	ssyncset.done $0x0  }
0xa0: {  	[sflag:s22] =	ssyncadd.s32 s4;
	_ =	sdelay $0x1  }
0xa1: {  	s23 =	simm.s32 $0x1B8B  }
0xa2: {  	_ =	swait.ge [sflag:s23], $0x1  }
0xa3: {  	[sflag:s23] =	ssyncset.done $0x0  }
0xa4: {  	s25 =	simm.s32 $0x1B8E;
	s24 =	sld [smem:$0x3FFE];
	[sflag:s23] =	ssyncadd.s32 $0xFFFFFFFF  }
0xa5: {  	s26 =	simm.s32 $execute0_lowered;
	[smem:$0x3FD2] =	sst s25  }
0xa6: {  	s5 =	sshll.u32 s26, $0x1;
	_ =	strace $0x80000046;
	[dreg:$0x1] =	wrdreg $0xFFFFFFFF  }
0xa7: {  	s28 =	simm.s32 $_size_execute0_lowered;
	s3 =	sadd.s32 s3, s5;
	[dreg:$0x0] =	wrdreg $0x0  }
0xa8: {  	s5 =	sshll.u32 s28, $0x1;
	[dreg:$0x2] =	wrdreg s3  }
0xa9: {  	[dreg:$0x3] =	wrdreg s5  }
0xaa: {  	[dreg:$0x4] =	wrdreg $0xC0  }
0xab: {  	_ =	task [dreg:s7], $0x5FFFF  }
0xac: {  	[dreg:$0x1] =	wrdreg $0xFFFFFFFF  }
0xad: {  	[dreg:$0x0] =	wrdreg $0x60  }
0xae: {  	[dreg:$0x2] =	wrdreg s24  }
0xaf: {  	[dreg:$0x3] =	wrdreg s2  }
0xb0: {  	[dreg:$0x4] =	wrdreg $0x2A000  }
0xb1: {  	[dreg:$0x5] =	wrdreg $0x9  }
0xb2: {  	_ =	task.clear_ibuf [dreg:s7], $0x6FFFF;
	_ =	strace $0x90000046  }
0xb3: {  	s29 =	simm.s32 $0x9;
	_ =	strace $0x80000048  }
0xb4: {  	_ =	swait.ge [sflag:s29], $0x1  }
0xb5: {  	[sflag:s29] =	ssyncadd.s32 $0xFFFFFFFF  }
0xb6: {  	_ =	strace $0x90000048  }
0xb7: {  	_ =	sfence  }
0xb8: {  	s30 =	sld [smem:$0x0];
	_ =	sdelay $0x2  }
0xb9: {  	s31 =	sshll.u32 s1, $0xD;
	s1 =	sshrl.u32 s1, $0x2  }
0xba: {  	s3 =	sand.u32 $0x4000, s31;
	s1 =	sadd.s32 s1, s30  }
0xbb: {  	s0 =	sor.u32 s3, s0;
	s1 =	sshll.u32 s1, $0x11  }
0xbc: {  	s0 =	sor.u32 s1, s0  }
0xbd: {  	s0 =	sadd.s32 $0x8F2B, s0  }
0xbe: {  	[sflag:s0] =	ssyncadd.remote.s32 $0x1  }
0xbf: {  	_ =	sfence.sel $0xFFFF  }
0xc0: {  	[dreg:$0x0] =	wrdreg $0xFFFFFFFF;
	(pc) =	sbr.abs _section_cstart, $3  }
0xc1: {  	[dreg:$0x1] =	wrdreg $0xFFFFFFFF  }
0xc2: {  	_ =	task.clear_ibuf [dreg:s7], $0x2FFFF;
	_ =	strace $0x9FFFFFFF  }
0xc3: {  	(tm) =	ssettm $0x7FFFFFFF  }
tec
execute0_lowered:
.L_overlay_start_1:
0x0: {  	(tag) =	ssettag $0x1  }
0x1: {  	s30 =	rddreg [dreg:$0x0]  }
0x2: {  	s2 =	rddreg [dreg:$0x1]  }
0x3: {  	s3 =	rddreg [dreg:$0x2]  }
0x4: {  	s4 =	simm.s32 $0x0;
	s1 =	stileid.u32;
	s0 =	srdreg.scid  }
0x5: {  	[smem:$0x7FF] =	sst s4;
	s31 =	smul.u32 $0x2800, s1;
	s5 =	sadd.s32 $0xBE00, s30  }
0x6: {  	s25 =	sshll.u32 s1, $0x6;
	s0 =	sand.u32 $0x1, s0;
	_ =	strace $0x80000047  }
0x7: {  	[dreg:$0x4] =	wrdreg s5;
	s5 =	sor.u32 $0x1C01, s25;
	s6 =	sadd.s32 s31, s3  }
0x8: {  	s8 =	sshll.u32 s0, $0x4;
	s7 =	sshrl.u32 s6, $0x3;
	s6 =	simm.s32 $0x1  }
0x9: {  	[spmem:s7], [sflag:s5] =	dma.local [hbm:s2], $0x500  }
0xa: {  	s8 =	sor.u32 s1, s8;
	_ =	swait.ge [sflag:s6], $0x500  }
0xb: {  	s10 =	smul.u32 $0x500, s8;
	[sflag:s6] =	ssyncset.done $0x0  }
0xc: {  	s8 =	simm.s32 $0x2800;
	s9 =	rddreg [dreg:$0x4];
	[sflag:s6] =	ssyncadd.s32 $0xFFFFFB00  }
0xd: {  	[tilespmem:s8], [sflag:$0x1] =	stream.linear.gather [hbm4b:s9+s4], $0x200, $0x38;
	[tilespmem:$0x5200] =	vst v63  }
0xe: {  	_ =	swait.ge [sflag:s6], $0x200  }
0xf: {  	s26 =	sadd.s32 s10, s30;
	[sflag:s6] =	ssyncset.done $0x0  }
0x10: {  	s9 =	sadd.s32 $0x1E00, s26;
	[sflag:s6] =	ssyncadd.s32 $0xFFFFFE00  }
0x11: {  	[tilespmem:s4], [sflag:$0x1] =	stream.linear.gather [hbm4b:s9+s4], $0x2800, $0x38;
	[tilespmem:$0x5200] =	vst v63  }
0x12: {  	_ =	swait.ge [sflag:s6], $0x2800  }
0x13: {  	[sflag:s6] =	ssyncset.done $0x0  }
0x14: {  	[sflag:s6] =	ssyncadd.s32 $0xFFFFD800  }
0x15: {  	s10 =	simm.s32 $0x200;
	[bflag:$0x0] =	sbarrier.arrive $0xFFFF  }
0x16: {  	[spmem:s3] =	stream.indirect.scatter.add.f32 [tilespmem:s8], [sflag:$0x1], $0x1, s4, s10, $0xb8;
	[tilespmem:$0x5200] =	vst v63  }
0x17: {  	_ =	swait.ge [sflag:s6], $0x200  }
0x18: {  	[sflag:s6] =	ssyncset.done $0x0  }
0x19: {  	[sflag:s6] =	ssyncadd.s32 $0xFFFFFE00  }
0x1a: {  	[spmem:s3] =	stream.indirect.scatter.add.f32 [tilespmem:s8], [sflag:$0x1], $0x1, s10, s10, $0xb8;
	[tilespmem:$0x5200] =	vst v63  }
0x1b: {  	_ =	swait.ge [sflag:s6], $0x200  }
0x1c: {  	[sflag:s6] =	ssyncset.done $0x0  }
0x1d: {  	s11 =	simm.s32 $0x400;
	[sflag:s6] =	ssyncadd.s32 $0xFFFFFE00  }
0x1e: {  	[spmem:s3] =	stream.indirect.scatter.add.f32 [tilespmem:s8], [sflag:$0x1], $0x1, s11, s10, $0xb8;
	[tilespmem:$0x5200] =	vst v63  }
0x1f: {  	_ =	swait.ge [sflag:s6], $0x200  }
0x20: {  	[sflag:s6] =	ssyncset.done $0x0  }
0x21: {  	s12 =	simm.s32 $0x600;
	[sflag:s6] =	ssyncadd.s32 $0xFFFFFE00  }
0x22: {  	[spmem:s3] =	stream.indirect.scatter.add.f32 [tilespmem:s8], [sflag:$0x1], $0x1, s12, s10, $0xb8;
	[tilespmem:$0x5200] =	vst v63  }
0x23: {  	_ =	swait.ge [sflag:s6], $0x200  }
0x24: {  	[sflag:s6] =	ssyncset.done $0x0  }
0x25: {  	s13 =	simm.s32 $0x800;
	[sflag:s6] =	ssyncadd.s32 $0xFFFFFE00  }
0x26: {  	[spmem:s3] =	stream.indirect.scatter.add.f32 [tilespmem:s8], [sflag:$0x1], $0x1, s13, s10, $0xb8;
	[tilespmem:$0x5200] =	vst v63  }
0x27: {  	_ =	swait.ge [sflag:s6], $0x200  }
0x28: {  	[sflag:s6] =	ssyncset.done $0x0  }
0x29: {  	s14 =	simm.s32 $0xA00;
	[sflag:s6] =	ssyncadd.s32 $0xFFFFFE00  }
0x2a: {  	[spmem:s3] =	stream.indirect.scatter.add.f32 [tilespmem:s8], [sflag:$0x1], $0x1, s14, s10, $0xb8;
	[tilespmem:$0x5200] =	vst v63  }
0x2b: {  	_ =	swait.ge [sflag:s6], $0x200  }
0x2c: {  	[sflag:s6] =	ssyncset.done $0x0  }
0x2d: {  	s15 =	simm.s32 $0xC00;
	[sflag:s6] =	ssyncadd.s32 $0xFFFFFE00  }
0x2e: {  	[spmem:s3] =	stream.indirect.scatter.add.f32 [tilespmem:s8], [sflag:$0x1], $0x1, s15, s10, $0xb8;
	[tilespmem:$0x5200] =	vst v63  }
0x2f: {  	_ =	swait.ge [sflag:s6], $0x200  }
0x30: {  	[sflag:s6] =	ssyncset.done $0x0  }
0x31: {  	s16 =	simm.s32 $0xE00;
	[sflag:s6] =	ssyncadd.s32 $0xFFFFFE00  }
0x32: {  	[spmem:s3] =	stream.indirect.scatter.add.f32 [tilespmem:s8], [sflag:$0x1], $0x1, s16, s10, $0xb8;
	[tilespmem:$0x5200] =	vst v63  }
0x33: {  	_ =	swait.ge [sflag:s6], $0x200  }
0x34: {  	[sflag:s6] =	ssyncset.done $0x0  }
0x35: {  	s17 =	simm.s32 $0x1000;
	[sflag:s6] =	ssyncadd.s32 $0xFFFFFE00  }
0x36: {  	[spmem:s3] =	stream.indirect.scatter.add.f32 [tilespmem:s8], [sflag:$0x1], $0x1, s17, s10, $0xb8;
	[tilespmem:$0x5200] =	vst v63  }
0x37: {  	_ =	swait.ge [sflag:s6], $0x200  }
0x38: {  	[sflag:s6] =	ssyncset.done $0x0  }
0x39: {  	s18 =	simm.s32 $0x1200;
	[sflag:s6] =	ssyncadd.s32 $0xFFFFFE00  }
0x3a: {  	[spmem:s3] =	stream.indirect.scatter.add.f32 [tilespmem:s8], [sflag:$0x1], $0x1, s18, s10, $0xb8;
	[tilespmem:$0x5200] =	vst v63  }
0x3b: {  	_ =	swait.ge [sflag:s6], $0x200  }
0x3c: {  	[sflag:s6] =	ssyncset.done $0x0  }
0x3d: {  	s19 =	simm.s32 $0x1400;
	[sflag:s6] =	ssyncadd.s32 $0xFFFFFE00  }
0x3e: {  	[spmem:s3] =	stream.indirect.scatter.add.f32 [tilespmem:s8], [sflag:$0x1], $0x1, s19, s10, $0xb8;
	[tilespmem:$0x5200] =	vst v63  }
0x3f: {  	_ =	swait.ge [sflag:s6], $0x200  }
0x40: {  	[sflag:s6] =	ssyncset.done $0x0  }
0x41: {  	s20 =	simm.s32 $0x1600;
	[sflag:s6] =	ssyncadd.s32 $0xFFFFFE00  }
0x42: {  	[spmem:s3] =	stream.indirect.scatter.add.f32 [tilespmem:s8], [sflag:$0x1], $0x1, s20, s10, $0xb8;
	[tilespmem:$0x5200] =	vst v63  }
0x43: {  	_ =	swait.ge [sflag:s6], $0x200  }
0x44: {  	[sflag:s6] =	ssyncset.done $0x0  }
0x45: {  	s21 =	simm.s32 $0x1800;
	[sflag:s6] =	ssyncadd.s32 $0xFFFFFE00  }
0x46: {  	[spmem:s3] =	stream.indirect.scatter.add.f32 [tilespmem:s8], [sflag:$0x1], $0x1, s21, s10, $0xb8;
	[tilespmem:$0x5200] =	vst v63  }
0x47: {  	_ =	swait.ge [sflag:s6], $0x200  }
0x48: {  	[sflag:s6] =	ssyncset.done $0x0  }
0x49: {  	s22 =	simm.s32 $0x1A00;
	[sflag:s6] =	ssyncadd.s32 $0xFFFFFE00  }
0x4a: {  	[spmem:s3] =	stream.indirect.scatter.add.f32 [tilespmem:s8], [sflag:$0x1], $0x1, s22, s10, $0xb8;
	[tilespmem:$0x5200] =	vst v63  }
0x4b: {  	_ =	swait.ge [sflag:s6], $0x200  }
0x4c: {  	[sflag:s6] =	ssyncset.done $0x0  }
0x4d: {  	s23 =	simm.s32 $0x1C00;
	[sflag:s6] =	ssyncadd.s32 $0xFFFFFE00  }
0x4e: {  	[spmem:s3] =	stream.indirect.scatter.add.f32 [tilespmem:s8], [sflag:$0x1], $0x1, s23, s10, $0xb8;
	[tilespmem:$0x5200] =	vst v63  }
0x4f: {  	_ =	swait.ge [sflag:s6], $0x200  }
0x50: {  	[sflag:s6] =	ssyncset.done $0x0  }
0x51: {  	s24 =	simm.s32 $0x1E00;
	[sflag:s6] =	ssyncadd.s32 $0xFFFFFE00  }
0x52: {  	[spmem:s3] =	stream.indirect.scatter.add.f32 [tilespmem:s8], [sflag:$0x1], $0x1, s24, s10, $0xb8;
	[tilespmem:$0x5200] =	vst v63  }
0x53: {  	_ =	swait.ge [sflag:s6], $0x200  }
0x54: {  	[sflag:s6] =	ssyncset.done $0x0  }
0x55: {  	s25 =	simm.s32 $0x2000;
	[sflag:s6] =	ssyncadd.s32 $0xFFFFFE00  }
0x56: {  	[spmem:s3] =	stream.indirect.scatter.add.f32 [tilespmem:s8], [sflag:$0x1], $0x1, s25, s10, $0xb8;
	[tilespmem:$0x5200] =	vst v63  }
0x57: {  	_ =	swait.ge [sflag:s6], $0x200  }
0x58: {  	[sflag:s6] =	ssyncset.done $0x0  }
0x59: {  	s26 =	simm.s32 $0x2200;
	[sflag:s6] =	ssyncadd.s32 $0xFFFFFE00  }
0x5a: {  	[spmem:s3] =	stream.indirect.scatter.add.f32 [tilespmem:s8], [sflag:$0x1], $0x1, s26, s10, $0xb8;
	[tilespmem:$0x5200] =	vst v63  }
0x5b: {  	_ =	swait.ge [sflag:s6], $0x200  }
0x5c: {  	[sflag:s6] =	ssyncset.done $0x0  }
0x5d: {  	s28 =	simm.s32 $0x2400;
	s1 =	smul.u32 $0x28000, s0;
	[sflag:s6] =	ssyncadd.s32 $0xFFFFFE00  }
0x5e: {  	[spmem:s3] =	stream.indirect.scatter.add.f32 [tilespmem:s8], [sflag:$0x1], $0x1, s28, s10, $0xb8;
	[tilespmem:$0x5200] =	vst v63  }
0x5f: {  	s0 =	ssub.s32 $0x2, s0;
	_ =	swait.ge [sflag:s6], $0x200  }
0x60: {  	s1 =	sadd.s32 s31, s1;
	s31 =	sshrl.u32 s0, $0x1;
	[sflag:s6] =	ssyncset.done $0x0  }
0x61: {  	s29 =	simm.s32 $0x2600;
	s0 =	ssub.s32 s0, s31;
	[sflag:s6] =	ssyncadd.s32 $0xFFFFFE00  }
0x62: {  	[spmem:s3] =	stream.indirect.scatter.add.f32 [tilespmem:s8], [sflag:$0x1], $0x1, s29, s10, $0xb8;
	[tilespmem:$0x5200] =	vst v63  }
0x63: {  	s0 =	smax.u32 s0, $0x1;
	_ =	swait.ge [sflag:s6], $0x200  }
0x64: {  	s1 =	sshrl.u32 s1, $0x3;
	p0 =	sne.s32 s0, $0x1;
	[sflag:s6] =	ssyncset.done $0x0  }
.Ltmp0:
0x65: {  	s1 =	sadd.s32 s1, s30;
	[sflag:s6] =	ssyncadd.s32 $0xFFFFFE00;
	(pc) =	sbr.rel @!p0 .LBB2_2-.Ltmp0, $4  }
0x66: {  	s30 =	sadd.s32 $0xC000, s1;
	[bflag:$0x0] =	sbarrier.arrive $0xFFFF  }
0x67: {  	[hbm:s30], [sflag:s5] =	dma.local [spmem:s7], $0x500  }
0x68: {  	_ =	swait.ge [sflag:s6], $0x500  }
0x69: {  	s31 =	sadd.s32 $0xFFFFFFFF, s0;
	[sflag:s6] =	ssyncset.done $0x0  }
.LBB2_1:
0x6a: {  	[sflag:s6] =	ssyncadd.s32 $0xFFFFFB00  }
0x6b: {  	[spmem:s7], [sflag:s5] =	dma.local [hbm:s2], $0x500  }
0x6c: {  	_ =	swait.ge [sflag:s6], $0x500  }
0x6d: {  	[sflag:s6] =	ssyncset.done $0x0  }
0x6e: {  	s0 =	rddreg [dreg:$0x4];
	[sflag:s6] =	ssyncadd.s32 $0xFFFFFB00  }
0x6f: {  	[tilespmem:s8], [sflag:$0x1] =	stream.linear.gather [hbm4b:s0+s4], $0x200, $0x38;
	[tilespmem:$0x5200] =	vst v63  }
0x70: {  	_ =	swait.ge [sflag:s6], $0x200  }
0x71: {  	[sflag:s6] =	ssyncset.done $0x0  }
0x72: {  	[sflag:s6] =	ssyncadd.s32 $0xFFFFFE00  }
0x73: {  	[tilespmem:s4], [sflag:$0x1] =	stream.linear.gather [hbm4b:s9+s4], $0x2800, $0x38;
	[tilespmem:$0x5200] =	vst v63  }
0x74: {  	_ =	swait.ge [sflag:s6], $0x2800  }
0x75: {  	[sflag:s6] =	ssyncset.done $0x0  }
0x76: {  	[sflag:s6] =	ssyncadd.s32 $0xFFFFD800  }
0x77: {  	[bflag:$0x0] =	sbarrier.arrive $0xFFFF  }
0x78: {  	[spmem:s3] =	stream.indirect.scatter.add.f32 [tilespmem:s8], [sflag:$0x1], $0x1, s4, s10, $0xb8;
	[tilespmem:$0x5200] =	vst v63  }
0x79: {  	_ =	swait.ge [sflag:s6], $0x200  }
0x7a: {  	[sflag:s6] =	ssyncset.done $0x0  }
0x7b: {  	[sflag:s6] =	ssyncadd.s32 $0xFFFFFE00  }
0x7c: {  	[spmem:s3] =	stream.indirect.scatter.add.f32 [tilespmem:s8], [sflag:$0x1], $0x1, s10, s10, $0xb8;
	[tilespmem:$0x5200] =	vst v63  }
0x7d: {  	_ =	swait.ge [sflag:s6], $0x200  }
0x7e: {  	[sflag:s6] =	ssyncset.done $0x0  }
0x7f: {  	[sflag:s6] =	ssyncadd.s32 $0xFFFFFE00  }
0x80: {  	[spmem:s3] =	stream.indirect.scatter.add.f32 [tilespmem:s8], [sflag:$0x1], $0x1, s11, s10, $0xb8;
	[tilespmem:$0x5200] =	vst v63  }
0x81: {  	_ =	swait.ge [sflag:s6], $0x200  }
0x82: {  	[sflag:s6] =	ssyncset.done $0x0  }
0x83: {  	[sflag:s6] =	ssyncadd.s32 $0xFFFFFE00  }
0x84: {  	[spmem:s3] =	stream.indirect.scatter.add.f32 [tilespmem:s8], [sflag:$0x1], $0x1, s12, s10, $0xb8;
	[tilespmem:$0x5200] =	vst v63  }
0x85: {  	_ =	swait.ge [sflag:s6], $0x200  }
0x86: {  	[sflag:s6] =	ssyncset.done $0x0  }
0x87: {  	[sflag:s6] =	ssyncadd.s32 $0xFFFFFE00  }
0x88: {  	[spmem:s3] =	stream.indirect.scatter.add.f32 [tilespmem:s8], [sflag:$0x1], $0x1, s13, s10, $0xb8;
	[tilespmem:$0x5200] =	vst v63  }
0x89: {  	_ =	swait.ge [sflag:s6], $0x200  }
0x8a: {  	[sflag:s6] =	ssyncset.done $0x0  }
0x8b: {  	[sflag:s6] =	ssyncadd.s32 $0xFFFFFE00  }
0x8c: {  	[spmem:s3] =	stream.indirect.scatter.add.f32 [tilespmem:s8], [sflag:$0x1], $0x1, s14, s10, $0xb8;
	[tilespmem:$0x5200] =	vst v63  }
0x8d: {  	_ =	swait.ge [sflag:s6], $0x200  }
0x8e: {  	[sflag:s6] =	ssyncset.done $0x0  }
0x8f: {  	[sflag:s6] =	ssyncadd.s32 $0xFFFFFE00  }
0x90: {  	[spmem:s3] =	stream.indirect.scatter.add.f32 [tilespmem:s8], [sflag:$0x1], $0x1, s15, s10, $0xb8;
	[tilespmem:$0x5200] =	vst v63  }
0x91: {  	_ =	swait.ge [sflag:s6], $0x200  }
0x92: {  	[sflag:s6] =	ssyncset.done $0x0  }
0x93: {  	[sflag:s6] =	ssyncadd.s32 $0xFFFFFE00  }
0x94: {  	[spmem:s3] =	stream.indirect.scatter.add.f32 [tilespmem:s8], [sflag:$0x1], $0x1, s16, s10, $0xb8;
	[tilespmem:$0x5200] =	vst v63  }
0x95: {  	_ =	swait.ge [sflag:s6], $0x200  }
0x96: {  	[sflag:s6] =	ssyncset.done $0x0  }
0x97: {  	[sflag:s6] =	ssyncadd.s32 $0xFFFFFE00  }
0x98: {  	[spmem:s3] =	stream.indirect.scatter.add.f32 [tilespmem:s8], [sflag:$0x1], $0x1, s17, s10, $0xb8;
	[tilespmem:$0x5200] =	vst v63  }
0x99: {  	_ =	swait.ge [sflag:s6], $0x200  }
0x9a: {  	[sflag:s6] =	ssyncset.done $0x0  }
0x9b: {  	[sflag:s6] =	ssyncadd.s32 $0xFFFFFE00  }
0x9c: {  	[spmem:s3] =	stream.indirect.scatter.add.f32 [tilespmem:s8], [sflag:$0x1], $0x1, s18, s10, $0xb8;
	[tilespmem:$0x5200] =	vst v63  }
0x9d: {  	_ =	swait.ge [sflag:s6], $0x200  }
0x9e: {  	[sflag:s6] =	ssyncset.done $0x0  }
0x9f: {  	[sflag:s6] =	ssyncadd.s32 $0xFFFFFE00  }
0xa0: {  	[spmem:s3] =	stream.indirect.scatter.add.f32 [tilespmem:s8], [sflag:$0x1], $0x1, s19, s10, $0xb8;
	[tilespmem:$0x5200] =	vst v63  }
0xa1: {  	_ =	swait.ge [sflag:s6], $0x200  }
0xa2: {  	[sflag:s6] =	ssyncset.done $0x0  }
0xa3: {  	[sflag:s6] =	ssyncadd.s32 $0xFFFFFE00  }
0xa4: {  	[spmem:s3] =	stream.indirect.scatter.add.f32 [tilespmem:s8], [sflag:$0x1], $0x1, s20, s10, $0xb8;
	[tilespmem:$0x5200] =	vst v63  }
0xa5: {  	_ =	swait.ge [sflag:s6], $0x200  }
0xa6: {  	[sflag:s6] =	ssyncset.done $0x0  }
0xa7: {  	[sflag:s6] =	ssyncadd.s32 $0xFFFFFE00  }
0xa8: {  	[spmem:s3] =	stream.indirect.scatter.add.f32 [tilespmem:s8], [sflag:$0x1], $0x1, s21, s10, $0xb8;
	[tilespmem:$0x5200] =	vst v63  }
0xa9: {  	_ =	swait.ge [sflag:s6], $0x200  }
0xaa: {  	[sflag:s6] =	ssyncset.done $0x0  }
0xab: {  	[sflag:s6] =	ssyncadd.s32 $0xFFFFFE00  }
0xac: {  	[spmem:s3] =	stream.indirect.scatter.add.f32 [tilespmem:s8], [sflag:$0x1], $0x1, s22, s10, $0xb8;
	[tilespmem:$0x5200] =	vst v63  }
0xad: {  	_ =	swait.ge [sflag:s6], $0x200  }
0xae: {  	[sflag:s6] =	ssyncset.done $0x0  }
0xaf: {  	[sflag:s6] =	ssyncadd.s32 $0xFFFFFE00  }
0xb0: {  	[spmem:s3] =	stream.indirect.scatter.add.f32 [tilespmem:s8], [sflag:$0x1], $0x1, s23, s10, $0xb8;
	[tilespmem:$0x5200] =	vst v63  }
0xb1: {  	_ =	swait.ge [sflag:s6], $0x200  }
0xb2: {  	[sflag:s6] =	ssyncset.done $0x0  }
0xb3: {  	[sflag:s6] =	ssyncadd.s32 $0xFFFFFE00  }
0xb4: {  	[spmem:s3] =	stream.indirect.scatter.add.f32 [tilespmem:s8], [sflag:$0x1], $0x1, s24, s10, $0xb8;
	[tilespmem:$0x5200] =	vst v63  }
0xb5: {  	_ =	swait.ge [sflag:s6], $0x200  }
0xb6: {  	[sflag:s6] =	ssyncset.done $0x0  }
0xb7: {  	[sflag:s6] =	ssyncadd.s32 $0xFFFFFE00  }
0xb8: {  	[spmem:s3] =	stream.indirect.scatter.add.f32 [tilespmem:s8], [sflag:$0x1], $0x1, s25, s10, $0xb8;
	[tilespmem:$0x5200] =	vst v63  }
0xb9: {  	_ =	swait.ge [sflag:s6], $0x200  }
0xba: {  	[sflag:s6] =	ssyncset.done $0x0  }
0xbb: {  	[sflag:s6] =	ssyncadd.s32 $0xFFFFFE00  }
0xbc: {  	[spmem:s3] =	stream.indirect.scatter.add.f32 [tilespmem:s8], [sflag:$0x1], $0x1, s26, s10, $0xb8;
	[tilespmem:$0x5200] =	vst v63  }
0xbd: {  	_ =	swait.ge [sflag:s6], $0x200  }
0xbe: {  	[sflag:s6] =	ssyncset.done $0x0  }
0xbf: {  	[sflag:s6] =	ssyncadd.s32 $0xFFFFFE00  }
0xc0: {  	[spmem:s3] =	stream.indirect.scatter.add.f32 [tilespmem:s8], [sflag:$0x1], $0x1, s28, s10, $0xb8;
	[tilespmem:$0x5200] =	vst v63  }
0xc1: {  	_ =	swait.ge [sflag:s6], $0x200  }
0xc2: {  	[sflag:s6] =	ssyncset.done $0x0  }
0xc3: {  	[sflag:s6] =	ssyncadd.s32 $0xFFFFFE00  }
0xc4: {  	[spmem:s3] =	stream.indirect.scatter.add.f32 [tilespmem:s8], [sflag:$0x1], $0x1, s29, s10, $0xb8;
	[tilespmem:$0x5200] =	vst v63  }
0xc5: {  	_ =	swait.ge [sflag:s6], $0x200  }
0xc6: {  	p0 =	sne.s32 s31, $0x1;
	[sflag:s6] =	ssyncset.done $0x0  }
.Ltmp1:
0xc7: {  	[sflag:s6] =	ssyncadd.s32 $0xFFFFFE00;
	(pc) =	sbr.rel @p0 .LBB2_1-.Ltmp1, $4  }
0xc8: {  	[bflag:$0x0] =	sbarrier.arrive $0xFFFF  }
0xc9: {  	[hbm:s30], [sflag:s5] =	dma.local [spmem:s7], $0x500  }
0xca: {  	_ =	swait.ge [sflag:s6], $0x500  }
0xcb: {  	s31 =	sadd.s32 $0xFFFFFFFF, s31;
	[sflag:s6] =	ssyncset.done $0x0  }
.LBB2_2:
0xcc: {  	[sflag:s6] =	ssyncadd.s32 $0xFFFFFB00  }
0xcd: {  	_ =	sfence.sel $0x180000  }
0xce: {  	[bflag:$0x0] =	sbarrier.arrive $0xFFFF  }
0xcf: {  	_ =	strace $0x90000047  }
0xd0: {  	s0 =	stileid.u32;
	[bflag:$0x2] =	sbarrier.arrive $0xFFFF  }
0xd1: {  	p0 =	sne.s32 s0, $0x0;
	s0 =	rddreg [dreg:$0x3]  }
0xd2: {  	s0 =	sadd.s32 @!p0 $0x100000, s0  }
0xd3: {  	[sflag:s0] =	ssyncadd.tile.s32 @!p0 $0x1;
	_ =	shalt  }
.Lfunc_end2:
_tile_overlayer_lowered:
.L_overlay_start_2:
0xd4: {  	(tag) =	ssettag $0x2  }
0xd5: {  	s0 =	rddreg [dreg:$0x0];
	s2 =	stileid.u32  }
0xd6: {  	s1 =	rddreg [dreg:$0x1];
	p0 =	sne.s32 s2, $0x0  }
0xd7: {  	s3 =	rddreg [dreg:$0x2];
	[bflag:$0x3] =	sbarrier.arrive $0xFFFF;
	s2 =	simm.s32 @!p0 $0x1C01  }
0xd8: {  	[timem:s3], [sflag:s2] =	dma.local @!p0 [hbm:s0], s1  }
0xd9: {  	s0 =	simm.s32 @!p0 $0x1  }
0xda: {  	_ =	swait.ge @!p0 [sflag:s0], s1  }
0xdb: {  	s1 =	ssub.s32 @!p0 $0x0, s1;
	[sflag:s0] =	ssyncset.done @!p0 $0x0  }
0xdc: {  	[sflag:s0] =	ssyncadd.s32 @!p0 s1  }
0xdd: {  	[bflag:$0x3] =	sbarrier.arrive $0xFFFF  }
0xde: {  	_ =	shalt  }

</sc_bundles>
